<compile_context>
chip_gen: v7x
topology: tpu7x:2x2x1
jax: 0.10.2.dev20260603
libtpu: 0.0.44.dev20260713+nightly
codegen_flags: <defaults>
</compile_context>

<pallas_src>
import functools

import jax
import jax.numpy as jnp
from jax import lax
from jax.experimental import pallas as pl
from jax.experimental.pallas import tpu as pltpu
from jax.experimental.pallas import tpu_sc as plsc

N = 10000
E = 320000
NC = 2
NS = 16

NPAD = 10240
ROWS_PT = NPAD // NS

C = 128
EPT = 20480
K = EPT // C
DEG_G = 10

AGG_G = 2
SUPK = 32
TRASH = NPAD - 1

_MESH2 = plsc.VectorSubcoreMesh(
    core_axis_name="c", subcore_axis_name="s", num_cores=NC, num_subcores=NS)
_MESH1 = plsc.VectorSubcoreMesh(
    core_axis_name="c", subcore_axis_name="s", num_cores=1, num_subcores=NS)


@functools.partial(
    pl.kernel,
    mesh=_MESH2,
    out_type=jax.ShapeDtypeStruct((2, NPAD), jnp.float32),
    scratch_types=[
        pltpu.VMEM((K, C), jnp.int32),
        pltpu.VMEM((C,), jnp.float32),
        pltpu.VMEM((ROWS_PT,), jnp.float32),
        pltpu.VMEM_SHARED((NPAD,), jnp.float32),
        pltpu.SemaphoreType.DMA,
    ],
)
def _norms_kernel(edges, zeros_pad, out, idx_v, ones_v, row_v, deg_sh, sem):
    cid = lax.axis_index("c")
    sid = lax.axis_index("s")
    pltpu.sync_copy(edges.at[cid, sid], idx_v)
    for i in range(C // 16):
        ones_v[pl.ds(i * 16, 16)] = jnp.ones((16,), jnp.float32)
    pltpu.sync_copy(zeros_pad.at[pl.ds(sid * ROWS_PT, ROWS_PT)],
                    deg_sh.at[pl.ds(sid * ROWS_PT, ROWS_PT)])
    plsc.subcore_barrier()

    def outer(g, carry):
        base = g * DEG_G
        descs = [
            pltpu.async_copy(ones_v, deg_sh.at[idx_v.at[base + i]], sem,
                             add=True)
            for i in range(DEG_G)
        ]
        for d in descs:
            d.wait()
        return carry

    lax.fori_loop(0, K // DEG_G, outer, 0)
    plsc.subcore_barrier()

    pltpu.sync_copy(deg_sh.at[pl.ds(sid * ROWS_PT, ROWS_PT)], row_v)

    def nbody(i, carry):
        x = jnp.maximum(row_v[pl.ds(i * 16, 16)], 1.0)
        yi = jnp.int32(0x5F3759DF) - lax.shift_right_arithmetic(
            lax.bitcast_convert_type(x, jnp.int32), 1)
        y = lax.bitcast_convert_type(yi, jnp.float32)
        for _ in range(3):
            y = y * (1.5 - 0.5 * x * y * y)
        row_v[pl.ds(i * 16, 16)] = y
        return carry

    lax.fori_loop(0, ROWS_PT // 16, nbody, 0)
    pltpu.sync_copy(row_v, out.at[cid, pl.ds(sid * ROWS_PT, ROWS_PT)])


def _agg_body(hw, srcr, dstr, zeros, out, src_v, dst_v, bufs, agg_sh,
              gsems, ssems):
    sid = lax.axis_index("s")
    pltpu.sync_copy(zeros.at[pl.ds(sid * ROWS_PT, ROWS_PT)],
                    agg_sh.at[pl.ds(sid * ROWS_PT, ROWS_PT)])
    plsc.subcore_barrier()

    def sup(sp, carry):
        pltpu.sync_copy(srcr.at[sid, pl.ds(sp * SUPK, SUPK)], src_v)
        pltpu.sync_copy(dstr.at[sid, pl.ds(sp * SUPK, SUPK)], dst_v)

        def outer(g, c2):
            base = g * AGG_G
            gd = []
            for i in range(AGG_G):
                @pl.when(g > 0)
                def _wait_prev(i=i):
                    pltpu.make_async_copy(hw.at[pl.ds(0, C)], bufs[i],
                                          ssems[i]).wait()
                gd.append(
                    pltpu.async_copy(hw.at[src_v.at[base + i]], bufs[i],
                                     gsems[i]))
            for i in range(AGG_G):
                gd[i].wait()
                pltpu.async_copy(bufs[i], agg_sh.at[dst_v.at[base + i]],
                                 ssems[i], add=True)
            return c2

        lax.fori_loop(0, SUPK // AGG_G, outer, 0)
        for i in range(AGG_G):
            pltpu.make_async_copy(hw.at[pl.ds(0, C)], bufs[i],
                                  ssems[i]).wait()
        return carry

    lax.fori_loop(0, K // SUPK, sup, 0)
    plsc.subcore_barrier()
    pltpu.sync_copy(agg_sh.at[pl.ds(sid * ROWS_PT, ROWS_PT)],
                    out.at[pl.ds(sid * ROWS_PT, ROWS_PT)])


_agg128 = functools.partial(
    pl.kernel,
    mesh=_MESH1,
    out_type=jax.ShapeDtypeStruct((NPAD, 128), jnp.float32),
    scratch_types=[
        pltpu.VMEM((SUPK, C), jnp.int32),
        pltpu.VMEM((SUPK, C), jnp.int32),
        tuple(pltpu.VMEM((C, 128), jnp.float32) for _ in range(AGG_G)),
        pltpu.VMEM_SHARED((NPAD, 128), jnp.float32),
        tuple(pltpu.SemaphoreType.DMA for _ in range(AGG_G)),
        tuple(pltpu.SemaphoreType.DMA for _ in range(AGG_G)),
    ],
)(_agg_body)


_BM = 1000


def _pro0_body(x_ref, n_ref, w_ref, o_ref):
    o_ref[...] = jnp.dot(x_ref[...] * n_ref[...], w_ref[...],
                         preferred_element_type=jnp.float32)


def _pro0(features, out_norm, W1):
    return pl.pallas_call(
        _pro0_body,
        grid=(N // _BM,),
        in_specs=[
            pl.BlockSpec((_BM, 128), lambda i: (i, 0)),
            pl.BlockSpec((_BM, 1), lambda i: (i, 0)),
            pl.BlockSpec((128, 128), lambda i: (0, 0)),
        ],
        out_specs=pl.BlockSpec((_BM, 128), lambda i: (i, 0)),
        out_shape=jax.ShapeDtypeStruct((N, 128), jnp.float32),
    )(features, out_norm, W1)


def _mid_body(p_ref, in_ref, b_ref, on_ref, w_ref, o_ref):
    t = p_ref[...] * in_ref[...] + b_ref[...]
    t = jnp.maximum(t, 0.0)
    o_ref[...] = jnp.dot(t * on_ref[...], w_ref[...],
                         preferred_element_type=jnp.float32)


def _mid(p, in_norm, b, out_norm, W):
    fi, fo = W.shape
    return pl.pallas_call(
        _mid_body,
        grid=(N // _BM,),
        in_specs=[
            pl.BlockSpec((_BM, fi), lambda i: (i, 0)),
            pl.BlockSpec((_BM, 1), lambda i: (i, 0)),
            pl.BlockSpec((1, fi), lambda i: (0, 0)),
            pl.BlockSpec((_BM, 1), lambda i: (i, 0)),
            pl.BlockSpec((fi, fo), lambda i: (0, 0)),
        ],
        out_specs=pl.BlockSpec((_BM, fo), lambda i: (i, 0)),
        out_shape=jax.ShapeDtypeStruct((N, fo), jnp.float32),
    )(p, in_norm, b, out_norm, W)


def _epi_body(p_ref, in_ref, b_ref, o_ref):
    o_ref[...] = p_ref[...][:, :64] * in_ref[...] + b_ref[...]


def _epi(p, in_norm, b):
    return pl.pallas_call(
        _epi_body,
        grid=(N // _BM,),
        in_specs=[
            pl.BlockSpec((_BM, 128), lambda i: (i, 0)),
            pl.BlockSpec((_BM, 1), lambda i: (i, 0)),
            pl.BlockSpec((1, 64), lambda i: (0, 0)),
        ],
        out_specs=pl.BlockSpec((_BM, 64), lambda i: (i, 0)),
        out_shape=jax.ShapeDtypeStruct((N, 64), jnp.float32),
    )(p, in_norm, b)


def kernel(features, edge_index, W1, b1, W2, b2, W3, b3):
    e32 = edge_index.astype(jnp.int32)
    per_tile = e32.reshape(2, NS, E // NS)
    pad_deg = jnp.pad(per_tile, ((0, 0), (0, 0), (0, EPT - E // NS)),
                      constant_values=TRASH)
    edges_deg = pad_deg.reshape(2, NS, K, C)
    src_agg = jnp.pad(per_tile[0], ((0, 0), (0, EPT - E // NS)),
                      constant_values=0).reshape(NS, K, C)
    trash_rows = jnp.broadcast_to(
        (N + 8 * jnp.arange(NS, dtype=jnp.int32))[:, None],
        (NS, EPT - E // NS))
    dst_agg = jnp.concatenate([per_tile[1], trash_rows],
                              axis=1).reshape(NS, K, C)
    zeros_pad = jnp.zeros((NPAD,), jnp.float32)
    zeros128 = jnp.zeros((NPAD, 128), jnp.float32)
    W3p = jnp.pad(W3, ((0, 0), (0, 64)))

    norms = _norms_kernel(edges_deg, zeros_pad)
    out_norm = norms[0, :N].reshape(N, 1)
    in_norm = norms[1, :N].reshape(N, 1)

    hw1 = _pro0(features, out_norm, W1)
    p1 = _agg128(hw1, src_agg, dst_agg, zeros128)[:N]
    hw2 = _mid(p1, in_norm, b1.reshape(1, 128), out_norm, W2)
    p2 = _agg128(hw2, src_agg, dst_agg, zeros128)[:N]
    hw3 = _mid(p2, in_norm, b2.reshape(1, 128), out_norm, W3p)
    p3 = _agg128(hw3, src_agg, dst_agg, zeros128)[:N]
    return _epi(p3, in_norm, b3.reshape(1, 64))

# --- scband reference (transcript-rebuilt; emitter-appended) ---
"""Pipeline reference for scband-gcn-20710332301825 (READ-ONLY COPY).

The authoritative reference and input builder live on the scoring server;
editing this copy changes nothing except your own understanding.
"""

import jax, jax.numpy as jnp
import numpy as np

N_NODES = 10000
N_EDGES = 320000
IN_FEATS = 128
N_HIDDEN = 128
N_CLASSES = 64


def setup_inputs(seed: int = 0) -> dict:
    key = jax.random.key(seed)
    k1, k2, k3, k4, k5 = jax.random.split(key, 5)
    features = jax.random.normal(k1, (N_NODES, IN_FEATS), dtype=jnp.float32)
    edge_index = jax.random.randint(k2, (2, N_EDGES), 0, N_NODES, dtype=jnp.int64)
    # GraphConv weights (glorot-ish init)
    W1 = jax.random.normal(k3, (IN_FEATS, N_HIDDEN), dtype=jnp.float32) * (1.0 / np.sqrt(IN_FEATS))
    b1 = jnp.zeros((N_HIDDEN,), dtype=jnp.float32)
    W2 = jax.random.normal(k4, (N_HIDDEN, N_HIDDEN), dtype=jnp.float32) * (1.0 / np.sqrt(N_HIDDEN))
    b2 = jnp.zeros((N_HIDDEN,), dtype=jnp.float32)
    W3 = jax.random.normal(k5, (N_HIDDEN, N_CLASSES), dtype=jnp.float32) * (1.0 / np.sqrt(N_HIDDEN))
    b3 = jnp.zeros((N_CLASSES,), dtype=jnp.float32)
    return {"features": features, "edge_index": edge_index,
            "W1": W1, "b1": b1, "W2": W2, "b2": b2, "W3": W3, "b3": b3}


def _graph_conv(h, src, dst, out_norm, in_norm, W, b, activation):
    # DGL GraphConv with norm='both': D_in^{-1/2} A D_out^{-1/2} X W + b
    h = h * out_norm[:, None]
    h = h @ W  # mult_W_first equivalent (math identical)
    msgs = jnp.take(h, src, axis=0)              # gather (SparseCore)
    agg = jax.ops.segment_sum(msgs, dst, num_segments=h.shape[0])  # scatter-add
    agg = agg * in_norm[:, None]
    agg = agg + b
    if activation:
        agg = jax.nn.relu(agg)
    return agg


def reference(features, edge_index, W1, b1, W2, b2, W3, b3):
    src = edge_index[0]
    dst = edge_index[1]
    ones = jnp.ones((src.shape[0],), dtype=jnp.float32)
    out_deg = jax.ops.segment_sum(ones, src, num_segments=N_NODES)
    in_deg = jax.ops.segment_sum(ones, dst, num_segments=N_NODES)
    out_norm = jnp.power(jnp.clip(out_deg, 1.0, None), -0.5)
    in_norm = jnp.power(jnp.clip(in_deg, 1.0, None), -0.5)
    h = features
    # layer 0: in_feats -> n_hidden, relu
    h = _graph_conv(h, src, dst, out_norm, in_norm, W1, b1, True)
    # dropout is identity in eval mode
    # layer 1: n_hidden -> n_hidden, relu
    h = _graph_conv(h, src, dst, out_norm, in_norm, W2, b2, True)
    # layer 2: n_hidden -> n_classes, no activation
    h = _graph_conv(h, src, dst, out_norm, in_norm, W3, b3, False)
    return h

if __name__ == "__main__":
    import jax
    _d = setup_inputs()
    print(jax.jit(kernel)(*tuple(_d.values())))

</pallas_src>

<mosaic_0001>
#map = affine_map<(d0, d1) -> (0, 0, 0, 0)>
#map1 = affine_map<(d0, d1) -> (0)>
#map2 = affine_map<(d0, d1) -> (0, 0)>
module attributes {stable_mosaic.version = 14 : i64} {
  func.func @_norms_kernel(%arg0: i32, %arg1: i32, %arg2: memref<2x16x160x128xi32, #tpu.memory_space<hbm>>, %arg3: memref<10240xf32, #tpu.memory_space<hbm>>, %arg4: memref<2x10240xf32, #tpu.memory_space<hbm>>, %arg5: memref<160x128xi32, #tpu.memory_space<vmem>>, %arg6: memref<128xf32, #tpu.memory_space<vmem>>, %arg7: memref<640xf32, #tpu.memory_space<vmem>>, %arg8: memref<10240xf32, #tpu.memory_space<vmem_shared>>, %arg9: memref<!tpu.dma_semaphore, #tpu.memory_space<semaphore_mem>>) attributes {dimension_semantics = [#tpu.dimension_semantics<core_parallel>, #tpu.dimension_semantics<subcore_parallel>], iteration_bounds = array<i64: 2, 16>, scalar_prefetch = 0 : i64, scratch_operands = 5 : i64, tpu.core_type = #tpu.core_type<sc_vector_subcore>, window_params = [{transform_indices = #map}, {transform_indices = #map1}, {transform_indices = #map2}]} {
    "tpu.region"() ({
      %run_scoped3A = tpu.sem_alloc : memref<!tpu.dma_semaphore, #tpu.memory_space<semaphore_mem>>
      %dma_start3A = arith.constant 0 : i32
      %dma_start3A_65 = arith.constant 0 : i32
      %dma_start3A_66 = tpu.memref_slice %arg2[%arg0, %arg1, %dma_start3A, %dma_start3A_65] : memref<2x16x160x128xi32, #tpu.memory_space<hbm>> -> memref<1x1x160x128xi32, #tpu.memory_space<hbm>>
      %dma_start3A_67 = tpu.memref_squeeze %dma_start3A_66 : memref<1x1x160x128xi32, #tpu.memory_space<hbm>> -> memref<160x128xi32, #tpu.memory_space<hbm>>
      %dma_start3A_68 = arith.constant 0 : i32
      %dma_start3A_69 = arith.constant 0 : i32
      %dma_start3A_70 = tpu.memref_slice %arg2[%arg0, %arg1, %dma_start3A_68, %dma_start3A_69] : memref<2x16x160x128xi32, #tpu.memory_space<hbm>> -> memref<1x1x160x128xi32, #tpu.memory_space<hbm>>
      %dma_start3A_71 = tpu.memref_squeeze %dma_start3A_70 : memref<1x1x160x128xi32, #tpu.memory_space<hbm>> -> memref<160x128xi32, #tpu.memory_space<hbm>>
      tpu.enqueue_dma source(%dma_start3A_71 : memref<160x128xi32, #tpu.memory_space<hbm>>) target(%arg5 : memref<160x128xi32, #tpu.memory_space<vmem>>) target_semaphore(%run_scoped3A : memref<!tpu.dma_semaphore, #tpu.memory_space<semaphore_mem>>)
      %dma_wait3A = arith.constant 0 : i32
      %dma_wait3A_72 = arith.constant 0 : i32
      %dma_wait3A_73 = tpu.memref_slice %arg2[%arg0, %arg1, %dma_wait3A, %dma_wait3A_72] : memref<2x16x160x128xi32, #tpu.memory_space<hbm>> -> memref<1x1x160x128xi32, #tpu.memory_space<hbm>>
      %dma_wait3A_74 = tpu.memref_squeeze %dma_wait3A_73 : memref<1x1x160x128xi32, #tpu.memory_space<hbm>> -> memref<160x128xi32, #tpu.memory_space<hbm>>
      %dma_wait3A_75 = arith.constant 0 : i32
      %dma_wait3A_76 = arith.constant 0 : i32
      %dma_wait3A_77 = tpu.memref_slice %arg2[%arg0, %arg1, %dma_wait3A_75, %dma_wait3A_76] : memref<2x16x160x128xi32, #tpu.memory_space<hbm>> -> memref<1x1x160x128xi32, #tpu.memory_space<hbm>>
      %dma_wait3A_78 = tpu.memref_squeeze %dma_wait3A_77 : memref<1x1x160x128xi32, #tpu.memory_space<hbm>> -> memref<160x128xi32, #tpu.memory_space<hbm>>
      tpu.wait_dma2 semaphore(%run_scoped3A : memref<!tpu.dma_semaphore, #tpu.memory_space<semaphore_mem>>) src(%dma_wait3A_78 : memref<160x128xi32, #tpu.memory_space<hbm>>) dst(%arg5 : memref<160x128xi32, #tpu.memory_space<vmem>>)
      tpu.yield
    }) : () -> ()
    %broadcast_in_dim3A = arith.constant 1.000000e+00 : f32
    %broadcast_in_dim3A_0 = vector.broadcast %broadcast_in_dim3A : f32 to vector<16xf32>
    %swap3A = arith.constant 0 : index
    %swap3A_1 = tpu.vector_load %arg6[%swap3A] {strides = array<i32>} : memref<128xf32, #tpu.memory_space<vmem>>, vector<16xf32>,
    %swap3A_2 = vector.shape_cast %swap3A_1 : vector<16xf32> to vector<16xf32>
    %swap3A_3 = vector.shape_cast %broadcast_in_dim3A_0 : vector<16xf32> to vector<16xf32>
    tpu.vector_store %arg6[%swap3A], %swap3A_3 {strides = array<i32>} : memref<128xf32, #tpu.memory_space<vmem>>, vector<16xf32>,
    %broadcast_in_dim3A_4 = arith.constant 1.000000e+00 : f32
    %broadcast_in_dim3A_5 = vector.broadcast %broadcast_in_dim3A_4 : f32 to vector<16xf32>
    %swap3A_6 = arith.constant 16 : index
    %swap3A_7 = tpu.vector_load %arg6[%swap3A_6] {strides = array<i32>} : memref<128xf32, #tpu.memory_space<vmem>>, vector<16xf32>,
    %swap3A_8 = vector.shape_cast %swap3A_7 : vector<16xf32> to vector<16xf32>
    %swap3A_9 = vector.shape_cast %broadcast_in_dim3A_5 : vector<16xf32> to vector<16xf32>
    tpu.vector_store %arg6[%swap3A_6], %swap3A_9 {strides = array<i32>} : memref<128xf32, #tpu.memory_space<vmem>>, vector<16xf32>,
    %broadcast_in_dim3A_10 = arith.constant 1.000000e+00 : f32
    %broadcast_in_dim3A_11 = vector.broadcast %broadcast_in_dim3A_10 : f32 to vector<16xf32>
    %swap3A_12 = arith.constant 32 : index
    %swap3A_13 = tpu.vector_load %arg6[%swap3A_12] {strides = array<i32>} : memref<128xf32, #tpu.memory_space<vmem>>, vector<16xf32>,
    %swap3A_14 = vector.shape_cast %swap3A_13 : vector<16xf32> to vector<16xf32>
    %swap3A_15 = vector.shape_cast %broadcast_in_dim3A_11 : vector<16xf32> to vector<16xf32>
    tpu.vector_store %arg6[%swap3A_12], %swap3A_15 {strides = array<i32>} : memref<128xf32, #tpu.memory_space<vmem>>, vector<16xf32>,
    %broadcast_in_dim3A_16 = arith.constant 1.000000e+00 : f32
    %broadcast_in_dim3A_17 = vector.broadcast %broadcast_in_dim3A_16 : f32 to vector<16xf32>
    %swap3A_18 = arith.constant 48 : index
    %swap3A_19 = tpu.vector_load %arg6[%swap3A_18] {strides = array<i32>} : memref<128xf32, #tpu.memory_space<vmem>>, vector<16xf32>,
    %swap3A_20 = vector.shape_cast %swap3A_19 : vector<16xf32> to vector<16xf32>
    %swap3A_21 = vector.shape_cast %broadcast_in_dim3A_17 : vector<16xf32> to vector<16xf32>
    tpu.vector_store %arg6[%swap3A_18], %swap3A_21 {strides = array<i32>} : memref<128xf32, #tpu.memory_space<vmem>>, vector<16xf32>,
    %broadcast_in_dim3A_22 = arith.constant 1.000000e+00 : f32
    %broadcast_in_dim3A_23 = vector.broadcast %broadcast_in_dim3A_22 : f32 to vector<16xf32>
    %swap3A_24 = arith.constant 64 : index
    %swap3A_25 = tpu.vector_load %arg6[%swap3A_24] {strides = array<i32>} : memref<128xf32, #tpu.memory_space<vmem>>, vector<16xf32>,
    %swap3A_26 = vector.shape_cast %swap3A_25 : vector<16xf32> to vector<16xf32>
    %swap3A_27 = vector.shape_cast %broadcast_in_dim3A_23 : vector<16xf32> to vector<16xf32>
    tpu.vector_store %arg6[%swap3A_24], %swap3A_27 {strides = array<i32>} : memref<128xf32, #tpu.memory_space<vmem>>, vector<16xf32>,
    %broadcast_in_dim3A_28 = arith.constant 1.000000e+00 : f32
    %broadcast_in_dim3A_29 = vector.broadcast %broadcast_in_dim3A_28 : f32 to vector<16xf32>
    %swap3A_30 = arith.constant 80 : index
    %swap3A_31 = tpu.vector_load %arg6[%swap3A_30] {strides = array<i32>} : memref<128xf32, #tpu.memory_space<vmem>>, vector<16xf32>,
    %swap3A_32 = vector.shape_cast %swap3A_31 : vector<16xf32> to vector<16xf32>
    %swap3A_33 = vector.shape_cast %broadcast_in_dim3A_29 : vector<16xf32> to vector<16xf32>
    tpu.vector_store %arg6[%swap3A_30], %swap3A_33 {strides = array<i32>} : memref<128xf32, #tpu.memory_space<vmem>>, vector<16xf32>,
    %broadcast_in_dim3A_34 = arith.constant 1.000000e+00 : f32
    %broadcast_in_dim3A_35 = vector.broadcast %broadcast_in_dim3A_34 : f32 to vector<16xf32>
    %swap3A_36 = arith.constant 96 : index
    %swap3A_37 = tpu.vector_load %arg6[%swap3A_36] {strides = array<i32>} : memref<128xf32, #tpu.memory_space<vmem>>, vector<16xf32>,
    %swap3A_38 = vector.shape_cast %swap3A_37 : vector<16xf32> to vector<16xf32>
    %swap3A_39 = vector.shape_cast %broadcast_in_dim3A_35 : vector<16xf32> to vector<16xf32>
    tpu.vector_store %arg6[%swap3A_36], %swap3A_39 {strides = array<i32>} : memref<128xf32, #tpu.memory_space<vmem>>, vector<16xf32>,
    %broadcast_in_dim3A_40 = arith.constant 1.000000e+00 : f32
    %broadcast_in_dim3A_41 = vector.broadcast %broadcast_in_dim3A_40 : f32 to vector<16xf32>
    %swap3A_42 = arith.constant 112 : index
    %swap3A_43 = tpu.vector_load %arg6[%swap3A_42] {strides = array<i32>} : memref<128xf32, #tpu.memory_space<vmem>>, vector<16xf32>,
    %swap3A_44 = vector.shape_cast %swap3A_43 : vector<16xf32> to vector<16xf32>
    %swap3A_45 = vector.shape_cast %broadcast_in_dim3A_41 : vector<16xf32> to vector<16xf32>
    tpu.vector_store %arg6[%swap3A_42], %swap3A_45 {strides = array<i32>} : memref<128xf32, #tpu.memory_space<vmem>>, vector<16xf32>,
    %mul3A = arith.constant 640 : i32
    %mul3A_46 = arith.muli %arg1, %mul3A : i32
    %mul3A_47 = arith.constant 640 : i32
    %mul3A_48 = arith.muli %arg1, %mul3A_47 : i32
    "tpu.region"() ({
      %run_scoped3A = tpu.sem_alloc : memref<!tpu.dma_semaphore, #tpu.memory_space<semaphore_mem>>
      %dma_start3A = tpu.memref_slice %arg8[%mul3A_48] : memref<10240xf32, #tpu.memory_space<vmem_shared>> -> memref<640xf32, #tpu.memory_space<vmem_shared>>
      %dma_start3A_65 = tpu.memref_slice %arg3[%mul3A_46] : memref<10240xf32, #tpu.memory_space<hbm>> -> memref<640xf32, #tpu.memory_space<hbm>>
      tpu.enqueue_dma source(%dma_start3A_65 : memref<640xf32, #tpu.memory_space<hbm>>) target(%dma_start3A : memref<640xf32, #tpu.memory_space<vmem_shared>>) target_semaphore(%run_scoped3A : memref<!tpu.dma_semaphore, #tpu.memory_space<semaphore_mem>>)
      %dma_wait3A = tpu.memref_slice %arg8[%mul3A_48] : memref<10240xf32, #tpu.memory_space<vmem_shared>> -> memref<640xf32, #tpu.memory_space<vmem_shared>>
      %dma_wait3A_66 = tpu.memref_slice %arg3[%mul3A_46] : memref<10240xf32, #tpu.memory_space<hbm>> -> memref<640xf32, #tpu.memory_space<hbm>>
      tpu.wait_dma2 semaphore(%run_scoped3A : memref<!tpu.dma_semaphore, #tpu.memory_space<semaphore_mem>>) src(%dma_wait3A_66 : memref<640xf32, #tpu.memory_space<hbm>>) dst(%dma_wait3A : memref<640xf32, #tpu.memory_space<vmem_shared>>)
      tpu.yield
    }) : () -> ()
    %barrier3A = arith.constant 0 : index
    tpu.barrier barrier_id(%barrier3A)
    %scan3A = arith.constant 0 : i32
    %scan3A_49 = arith.constant 0 : i32
    %scan3A_50 = arith.constant 16 : i32
    %scan3A_51 = arith.addi %scan3A_49, %scan3A_50 : i32
    %scan3A_52 = arith.constant 1 : i32
    scf.for %scan3A_65 = %scan3A_49 to %scan3A_51 step %scan3A_52  : i32 {
      %mul3A_66 = arith.constant 10 : i32
      %mul3A_67 = arith.muli %scan3A_65, %mul3A_66 : i32
      %add3A = arith.constant 0 : i32
      %add3A_68 = arith.addi %mul3A_67, %add3A : i32
      %dma_start3A = arith.constant 0 : i32
      %dma_start3A_69 = tpu.memref_slice %arg5[%add3A_68, %dma_start3A] : memref<160x128xi32, #tpu.memory_space<vmem>> -> memref<1x128xi32, #tpu.memory_space<vmem>>
      %dma_start3A_70 = tpu.memref_squeeze %dma_start3A_69 : memref<1x128xi32, #tpu.memory_space<vmem>> -> memref<128xi32, #tpu.memory_space<vmem>>
      %dma_start3A_71 = arith.constant 0 : i32
      %dma_start3A_72 = tpu.memref_slice %arg8[%dma_start3A_71] : memref<10240xf32, #tpu.memory_space<vmem_shared>> -> memref<10240xf32, #tpu.memory_space<vmem_shared>>
      tpu.enqueue_indirect_dma source(%arg6 : memref<128xf32, #tpu.memory_space<vmem>>) target(%dma_start3A_72 : memref<10240xf32, #tpu.memory_space<vmem_shared>>) offsets(%dma_start3A_70 : memref<128xi32, #tpu.memory_space<vmem>>) semaphore(%arg9 : memref<!tpu.dma_semaphore, #tpu.memory_space<semaphore_mem>>) {add = true}
      %add3A_73 = arith.constant 1 : i32
      %add3A_74 = arith.addi %mul3A_67, %add3A_73 : i32
      %dma_start3A_75 = arith.constant 0 : i32
      %dma_start3A_76 = tpu.memref_slice %arg5[%add3A_74, %dma_start3A_75] : memref<160x128xi32, #tpu.memory_space<vmem>> -> memref<1x128xi32, #tpu.memory_space<vmem>>
      %dma_start3A_77 = tpu.memref_squeeze %dma_start3A_76 : memref<1x128xi32, #tpu.memory_space<vmem>> -> memref<128xi32, #tpu.memory_space<vmem>>
      %dma_start3A_78 = arith.constant 0 : i32
      %dma_start3A_79 = tpu.memref_slice %arg8[%dma_start3A_78] : memref<10240xf32, #tpu.memory_space<vmem_shared>> -> memref<10240xf32, #tpu.memory_space<vmem_shared>>
      tpu.enqueue_indirect_dma source(%arg6 : memref<128xf32, #tpu.memory_space<vmem>>) target(%dma_start3A_79 : memref<10240xf32, #tpu.memory_space<vmem_shared>>) offsets(%dma_start3A_77 : memref<128xi32, #tpu.memory_space<vmem>>) semaphore(%arg9 : memref<!tpu.dma_semaphore, #tpu.memory_space<semaphore_mem>>) {add = true}
      %add3A_80 = arith.constant 2 : i32
      %add3A_81 = arith.addi %mul3A_67, %add3A_80 : i32
      %dma_start3A_82 = arith.constant 0 : i32
      %dma_start3A_83 = tpu.memref_slice %arg5[%add3A_81, %dma_start3A_82] : memref<160x128xi32, #tpu.memory_space<vmem>> -> memref<1x128xi32, #tpu.memory_space<vmem>>
      %dma_start3A_84 = tpu.memref_squeeze %dma_start3A_83 : memref<1x128xi32, #tpu.memory_space<vmem>> -> memref<128xi32, #tpu.memory_space<vmem>>
      %dma_start3A_85 = arith.constant 0 : i32
      %dma_start3A_86 = tpu.memref_slice %arg8[%dma_start3A_85] : memref<10240xf32, #tpu.memory_space<vmem_shared>> -> memref<10240xf32, #tpu.memory_space<vmem_shared>>
      tpu.enqueue_indirect_dma source(%arg6 : memref<128xf32, #tpu.memory_space<vmem>>) target(%dma_start3A_86 : memref<10240xf32, #tpu.memory_space<vmem_shared>>) offsets(%dma_start3A_84 : memref<128xi32, #tpu.memory_space<vmem>>) semaphore(%arg9 : memref<!tpu.dma_semaphore, #tpu.memory_space<semaphore_mem>>) {add = true}
      %add3A_87 = arith.constant 3 : i32
      %add3A_88 = arith.addi %mul3A_67, %add3A_87 : i32
      %dma_start3A_89 = arith.constant 0 : i32
      %dma_start3A_90 = tpu.memref_slice %arg5[%add3A_88, %dma_start3A_89] : memref<160x128xi32, #tpu.memory_space<vmem>> -> memref<1x128xi32, #tpu.memory_space<vmem>>
      %dma_start3A_91 = tpu.memref_squeeze %dma_start3A_90 : memref<1x128xi32, #tpu.memory_space<vmem>> -> memref<128xi32, #tpu.memory_space<vmem>>
      %dma_start3A_92 = arith.constant 0 : i32
      %dma_start3A_93 = tpu.memref_slice %arg8[%dma_start3A_92] : memref<10240xf32, #tpu.memory_space<vmem_shared>> -> memref<10240xf32, #tpu.memory_space<vmem_shared>>
      tpu.enqueue_indirect_dma source(%arg6 : memref<128xf32, #tpu.memory_space<vmem>>) target(%dma_start3A_93 : memref<10240xf32, #tpu.memory_space<vmem_shared>>) offsets(%dma_start3A_91 : memref<128xi32, #tpu.memory_space<vmem>>) semaphore(%arg9 : memref<!tpu.dma_semaphore, #tpu.memory_space<semaphore_mem>>) {add = true}
      %add3A_94 = arith.constant 4 : i32
      %add3A_95 = arith.addi %mul3A_67, %add3A_94 : i32
      %dma_start3A_96 = arith.constant 0 : i32
      %dma_start3A_97 = tpu.memref_slice %arg5[%add3A_95, %dma_start3A_96] : memref<160x128xi32, #tpu.memory_space<vmem>> -> memref<1x128xi32, #tpu.memory_space<vmem>>
      %dma_start3A_98 = tpu.memref_squeeze %dma_start3A_97 : memref<1x128xi32, #tpu.memory_space<vmem>> -> memref<128xi32, #tpu.memory_space<vmem>>
      %dma_start3A_99 = arith.constant 0 : i32
      %dma_start3A_100 = tpu.memref_slice %arg8[%dma_start3A_99] : memref<10240xf32, #tpu.memory_space<vmem_shared>> -> memref<10240xf32, #tpu.memory_space<vmem_shared>>
      tpu.enqueue_indirect_dma source(%arg6 : memref<128xf32, #tpu.memory_space<vmem>>) target(%dma_start3A_100 : memref<10240xf32, #tpu.memory_space<vmem_shared>>) offsets(%dma_start3A_98 : memref<128xi32, #tpu.memory_space<vmem>>) semaphore(%arg9 : memref<!tpu.dma_semaphore, #tpu.memory_space<semaphore_mem>>) {add = true}
      %add3A_101 = arith.constant 5 : i32
      %add3A_102 = arith.addi %mul3A_67, %add3A_101 : i32
      %dma_start3A_103 = arith.constant 0 : i32
      %dma_start3A_104 = tpu.memref_slice %arg5[%add3A_102, %dma_start3A_103] : memref<160x128xi32, #tpu.memory_space<vmem>> -> memref<1x128xi32, #tpu.memory_space<vmem>>
      %dma_start3A_105 = tpu.memref_squeeze %dma_start3A_104 : memref<1x128xi32, #tpu.memory_space<vmem>> -> memref<128xi32, #tpu.memory_space<vmem>>
      %dma_start3A_106 = arith.constant 0 : i32
      %dma_start3A_107 = tpu.memref_slice %arg8[%dma_start3A_106] : memref<10240xf32, #tpu.memory_space<vmem_shared>> -> memref<10240xf32, #tpu.memory_space<vmem_shared>>
      tpu.enqueue_indirect_dma source(%arg6 : memref<128xf32, #tpu.memory_space<vmem>>) target(%dma_start3A_107 : memref<10240xf32, #tpu.memory_space<vmem_shared>>) offsets(%dma_start3A_105 : memref<128xi32, #tpu.memory_space<vmem>>) semaphore(%arg9 : memref<!tpu.dma_semaphore, #tpu.memory_space<semaphore_mem>>) {add = true}
      %add3A_108 = arith.constant 6 : i32
      %add3A_109 = arith.addi %mul3A_67, %add3A_108 : i32
      %dma_start3A_110 = arith.constant 0 : i32
      %dma_start3A_111 = tpu.memref_slice %arg5[%add3A_109, %dma_start3A_110] : memref<160x128xi32, #tpu.memory_space<vmem>> -> memref<1x128xi32, #tpu.memory_space<vmem>>
      %dma_start3A_112 = tpu.memref_squeeze %dma_start3A_111 : memref<1x128xi32, #tpu.memory_space<vmem>> -> memref<128xi32, #tpu.memory_space<vmem>>
      %dma_start3A_113 = arith.constant 0 : i32
      %dma_start3A_114 = tpu.memref_slice %arg8[%dma_start3A_113] : memref<10240xf32, #tpu.memory_space<vmem_shared>> -> memref<10240xf32, #tpu.memory_space<vmem_shared>>
      tpu.enqueue_indirect_dma source(%arg6 : memref<128xf32, #tpu.memory_space<vmem>>) target(%dma_start3A_114 : memref<10240xf32, #tpu.memory_space<vmem_shared>>) offsets(%dma_start3A_112 : memref<128xi32, #tpu.memory_space<vmem>>) semaphore(%arg9 : memref<!tpu.dma_semaphore, #tpu.memory_space<semaphore_mem>>) {add = true}
      %add3A_115 = arith.constant 7 : i32
      %add3A_116 = arith.addi %mul3A_67, %add3A_115 : i32
      %dma_start3A_117 = arith.constant 0 : i32
      %dma_start3A_118 = tpu.memref_slice %arg5[%add3A_116, %dma_start3A_117] : memref<160x128xi32, #tpu.memory_space<vmem>> -> memref<1x128xi32, #tpu.memory_space<vmem>>
      %dma_start3A_119 = tpu.memref_squeeze %dma_start3A_118 : memref<1x128xi32, #tpu.memory_space<vmem>> -> memref<128xi32, #tpu.memory_space<vmem>>
      %dma_start3A_120 = arith.constant 0 : i32
      %dma_start3A_121 = tpu.memref_slice %arg8[%dma_start3A_120] : memref<10240xf32, #tpu.memory_space<vmem_shared>> -> memref<10240xf32, #tpu.memory_space<vmem_shared>>
      tpu.enqueue_indirect_dma source(%arg6 : memref<128xf32, #tpu.memory_space<vmem>>) target(%dma_start3A_121 : memref<10240xf32, #tpu.memory_space<vmem_shared>>) offsets(%dma_start3A_119 : memref<128xi32, #tpu.memory_space<vmem>>) semaphore(%arg9 : memref<!tpu.dma_semaphore, #tpu.memory_space<semaphore_mem>>) {add = true}
      %add3A_122 = arith.constant 8 : i32
      %add3A_123 = arith.addi %mul3A_67, %add3A_122 : i32
      %dma_start3A_124 = arith.constant 0 : i32
      %dma_start3A_125 = tpu.memref_slice %arg5[%add3A_123, %dma_start3A_124] : memref<160x128xi32, #tpu.memory_space<vmem>> -> memref<1x128xi32, #tpu.memory_space<vmem>>
      %dma_start3A_126 = tpu.memref_squeeze %dma_start3A_125 : memref<1x128xi32, #tpu.memory_space<vmem>> -> memref<128xi32, #tpu.memory_space<vmem>>
      %dma_start3A_127 = arith.constant 0 : i32
      %dma_start3A_128 = tpu.memref_slice %arg8[%dma_start3A_127] : memref<10240xf32, #tpu.memory_space<vmem_shared>> -> memref<10240xf32, #tpu.memory_space<vmem_shared>>
      tpu.enqueue_indirect_dma source(%arg6 : memref<128xf32, #tpu.memory_space<vmem>>) target(%dma_start3A_128 : memref<10240xf32, #tpu.memory_space<vmem_shared>>) offsets(%dma_start3A_126 : memref<128xi32, #tpu.memory_space<vmem>>) semaphore(%arg9 : memref<!tpu.dma_semaphore, #tpu.memory_space<semaphore_mem>>) {add = true}
      %add3A_129 = arith.constant 9 : i32
      %add3A_130 = arith.addi %mul3A_67, %add3A_129 : i32
      %dma_start3A_131 = arith.constant 0 : i32
      %dma_start3A_132 = tpu.memref_slice %arg5[%add3A_130, %dma_start3A_131] : memref<160x128xi32, #tpu.memory_space<vmem>> -> memref<1x128xi32, #tpu.memory_space<vmem>>
      %dma_start3A_133 = tpu.memref_squeeze %dma_start3A_132 : memref<1x128xi32, #tpu.memory_space<vmem>> -> memref<128xi32, #tpu.memory_space<vmem>>
      %dma_start3A_134 = arith.constant 0 : i32
      %dma_start3A_135 = tpu.memref_slice %arg8[%dma_start3A_134] : memref<10240xf32, #tpu.memory_space<vmem_shared>> -> memref<10240xf32, #tpu.memory_space<vmem_shared>>
      tpu.enqueue_indirect_dma source(%arg6 : memref<128xf32, #tpu.memory_space<vmem>>) target(%dma_start3A_135 : memref<10240xf32, #tpu.memory_space<vmem_shared>>) offsets(%dma_start3A_133 : memref<128xi32, #tpu.memory_space<vmem>>) semaphore(%arg9 : memref<!tpu.dma_semaphore, #tpu.memory_space<semaphore_mem>>) {add = true}
      %dma_wait3A = arith.constant 0 : i32
      %dma_wait3A_136 = tpu.memref_slice %arg5[%add3A_68, %dma_wait3A] : memref<160x128xi32, #tpu.memory_space<vmem>> -> memref<1x128xi32, #tpu.memory_space<vmem>>
      %dma_wait3A_137 = tpu.memref_squeeze %dma_wait3A_136 : memref<1x128xi32, #tpu.memory_space<vmem>> -> memref<128xi32, #tpu.memory_space<vmem>>
      %dma_wait3A_138 = arith.constant 0 : i32
      %dma_wait3A_139 = tpu.memref_slice %arg8[%dma_wait3A_138] : memref<10240xf32, #tpu.memory_space<vmem_shared>> -> memref<10240xf32, #tpu.memory_space<vmem_shared>>
      tpu.wait_indirect_dma semaphore(%arg9 : memref<!tpu.dma_semaphore, #tpu.memory_space<semaphore_mem>>) src(%arg6 : memref<128xf32, #tpu.memory_space<vmem>>) dst(%dma_wait3A_139 : memref<10240xf32, #tpu.memory_space<vmem_shared>>)
      %dma_wait3A_140 = arith.constant 0 : i32
      %dma_wait3A_141 = tpu.memref_slice %arg5[%add3A_74, %dma_wait3A_140] : memref<160x128xi32, #tpu.memory_space<vmem>> -> memref<1x128xi32, #tpu.memory_space<vmem>>
      %dma_wait3A_142 = tpu.memref_squeeze %dma_wait3A_141 : memref<1x128xi32, #tpu.memory_space<vmem>> -> memref<128xi32, #tpu.memory_space<vmem>>
      %dma_wait3A_143 = arith.constant 0 : i32
      %dma_wait3A_144 = tpu.memref_slice %arg8[%dma_wait3A_143] : memref<10240xf32, #tpu.memory_space<vmem_shared>> -> memref<10240xf32, #tpu.memory_space<vmem_shared>>
      tpu.wait_indirect_dma semaphore(%arg9 : memref<!tpu.dma_semaphore, #tpu.memory_space<semaphore_mem>>) src(%arg6 : memref<128xf32, #tpu.memory_space<vmem>>) dst(%dma_wait3A_144 : memref<10240xf32, #tpu.memory_space<vmem_shared>>)
      %dma_wait3A_145 = arith.constant 0 : i32
      %dma_wait3A_146 = tpu.memref_slice %arg5[%add3A_81, %dma_wait3A_145] : memref<160x128xi32, #tpu.memory_space<vmem>> -> memref<1x128xi32, #tpu.memory_space<vmem>>
      %dma_wait3A_147 = tpu.memref_squeeze %dma_wait3A_146 : memref<1x128xi32, #tpu.memory_space<vmem>> -> memref<128xi32, #tpu.memory_space<vmem>>
      %dma_wait3A_148 = arith.constant 0 : i32
      %dma_wait3A_149 = tpu.memref_slice %arg8[%dma_wait3A_148] : memref<10240xf32, #tpu.memory_space<vmem_shared>> -> memref<10240xf32, #tpu.memory_space<vmem_shared>>
      tpu.wait_indirect_dma semaphore(%arg9 : memref<!tpu.dma_semaphore, #tpu.memory_space<semaphore_mem>>) src(%arg6 : memref<128xf32, #tpu.memory_space<vmem>>) dst(%dma_wait3A_149 : memref<10240xf32, #tpu.memory_space<vmem_shared>>)
      %dma_wait3A_150 = arith.constant 0 : i32
      %dma_wait3A_151 = tpu.memref_slice %arg5[%add3A_88, %dma_wait3A_150] : memref<160x128xi32, #tpu.memory_space<vmem>> -> memref<1x128xi32, #tpu.memory_space<vmem>>
      %dma_wait3A_152 = tpu.memref_squeeze %dma_wait3A_151 : memref<1x128xi32, #tpu.memory_space<vmem>> -> memref<128xi32, #tpu.memory_space<vmem>>
      %dma_wait3A_153 = arith.constant 0 : i32
      %dma_wait3A_154 = tpu.memref_slice %arg8[%dma_wait3A_153] : memref<10240xf32, #tpu.memory_space<vmem_shared>> -> memref<10240xf32, #tpu.memory_space<vmem_shared>>
      tpu.wait_indirect_dma semaphore(%arg9 : memref<!tpu.dma_semaphore, #tpu.memory_space<semaphore_mem>>) src(%arg6 : memref<128xf32, #tpu.memory_space<vmem>>) dst(%dma_wait3A_154 : memref<10240xf32, #tpu.memory_space<vmem_shared>>)
      %dma_wait3A_155 = arith.constant 0 : i32
      %dma_wait3A_156 = tpu.memref_slice %arg5[%add3A_95, %dma_wait3A_155] : memref<160x128xi32, #tpu.memory_space<vmem>> -> memref<1x128xi32, #tpu.memory_space<vmem>>
      %dma_wait3A_157 = tpu.memref_squeeze %dma_wait3A_156 : memref<1x128xi32, #tpu.memory_space<vmem>> -> memref<128xi32, #tpu.memory_space<vmem>>
      %dma_wait3A_158 = arith.constant 0 : i32
      %dma_wait3A_159 = tpu.memref_slice %arg8[%dma_wait3A_158] : memref<10240xf32, #tpu.memory_space<vmem_shared>> -> memref<10240xf32, #tpu.memory_space<vmem_shared>>
      tpu.wait_indirect_dma semaphore(%arg9 : memref<!tpu.dma_semaphore, #tpu.memory_space<semaphore_mem>>) src(%arg6 : memref<128xf32, #tpu.memory_space<vmem>>) dst(%dma_wait3A_159 : memref<10240xf32, #tpu.memory_space<vmem_shared>>)
      %dma_wait3A_160 = arith.constant 0 : i32
      %dma_wait3A_161 = tpu.memref_slice %arg5[%add3A_102, %dma_wait3A_160] : memref<160x128xi32, #tpu.memory_space<vmem>> -> memref<1x128xi32, #tpu.memory_space<vmem>>
      %dma_wait3A_162 = tpu.memref_squeeze %dma_wait3A_161 : memref<1x128xi32, #tpu.memory_space<vmem>> -> memref<128xi32, #tpu.memory_space<vmem>>
      %dma_wait3A_163 = arith.constant 0 : i32
      %dma_wait3A_164 = tpu.memref_slice %arg8[%dma_wait3A_163] : memref<10240xf32, #tpu.memory_space<vmem_shared>> -> memref<10240xf32, #tpu.memory_space<vmem_shared>>
      tpu.wait_indirect_dma semaphore(%arg9 : memref<!tpu.dma_semaphore, #tpu.memory_space<semaphore_mem>>) src(%arg6 : memref<128xf32, #tpu.memory_space<vmem>>) dst(%dma_wait3A_164 : memref<10240xf32, #tpu.memory_space<vmem_shared>>)
      %dma_wait3A_165 = arith.constant 0 : i32
      %dma_wait3A_166 = tpu.memref_slice %arg5[%add3A_109, %dma_wait3A_165] : memref<160x128xi32, #tpu.memory_space<vmem>> -> memref<1x128xi32, #tpu.memory_space<vmem>>
      %dma_wait3A_167 = tpu.memref_squeeze %dma_wait3A_166 : memref<1x128xi32, #tpu.memory_space<vmem>> -> memref<128xi32, #tpu.memory_space<vmem>>
      %dma_wait3A_168 = arith.constant 0 : i32
      %dma_wait3A_169 = tpu.memref_slice %arg8[%dma_wait3A_168] : memref<10240xf32, #tpu.memory_space<vmem_shared>> -> memref<10240xf32, #tpu.memory_space<vmem_shared>>
      tpu.wait_indirect_dma semaphore(%arg9 : memref<!tpu.dma_semaphore, #tpu.memory_space<semaphore_mem>>) src(%arg6 : memref<128xf32, #tpu.memory_space<vmem>>) dst(%dma_wait3A_169 : memref<10240xf32, #tpu.memory_space<vmem_shared>>)
      %dma_wait3A_170 = arith.constant 0 : i32
      %dma_wait3A_171 = tpu.memref_slice %arg5[%add3A_116, %dma_wait3A_170] : memref<160x128xi32, #tpu.memory_space<vmem>> -> memref<1x128xi32, #tpu.memory_space<vmem>>
      %dma_wait3A_172 = tpu.memref_squeeze %dma_wait3A_171 : memref<1x128xi32, #tpu.memory_space<vmem>> -> memref<128xi32, #tpu.memory_space<vmem>>
      %dma_wait3A_173 = arith.constant 0 : i32
      %dma_wait3A_174 = tpu.memref_slice %arg8[%dma_wait3A_173] : memref<10240xf32, #tpu.memory_space<vmem_shared>> -> memref<10240xf32, #tpu.memory_space<vmem_shared>>
      tpu.wait_indirect_dma semaphore(%arg9 : memref<!tpu.dma_semaphore, #tpu.memory_space<semaphore_mem>>) src(%arg6 : memref<128xf32, #tpu.memory_space<vmem>>) dst(%dma_wait3A_174 : memref<10240xf32, #tpu.memory_space<vmem_shared>>)
      %dma_wait3A_175 = arith.constant 0 : i32
      %dma_wait3A_176 = tpu.memref_slice %arg5[%add3A_123, %dma_wait3A_175] : memref<160x128xi32, #tpu.memory_space<vmem>> -> memref<1x128xi32, #tpu.memory_space<vmem>>
      %dma_wait3A_177 = tpu.memref_squeeze %dma_wait3A_176 : memref<1x128xi32, #tpu.memory_space<vmem>> -> memref<128xi32, #tpu.memory_space<vmem>>
      %dma_wait3A_178 = arith.constant 0 : i32
      %dma_wait3A_179 = tpu.memref_slice %arg8[%dma_wait3A_178] : memref<10240xf32, #tpu.memory_space<vmem_shared>> -> memref<10240xf32, #tpu.memory_space<vmem_shared>>
      tpu.wait_indirect_dma semaphore(%arg9 : memref<!tpu.dma_semaphore, #tpu.memory_space<semaphore_mem>>) src(%arg6 : memref<128xf32, #tpu.memory_space<vmem>>) dst(%dma_wait3A_179 : memref<10240xf32, #tpu.memory_space<vmem_shared>>)
      %dma_wait3A_180 = arith.constant 0 : i32
      %dma_wait3A_181 = tpu.memref_slice %arg5[%add3A_130, %dma_wait3A_180] : memref<160x128xi32, #tpu.memory_space<vmem>> -> memref<1x128xi32, #tpu.memory_space<vmem>>
      %dma_wait3A_182 = tpu.memref_squeeze %dma_wait3A_181 : memref<1x128xi32, #tpu.memory_space<vmem>> -> memref<128xi32, #tpu.memory_space<vmem>>
      %dma_wait3A_183 = arith.constant 0 : i32
      %dma_wait3A_184 = tpu.memref_slice %arg8[%dma_wait3A_183] : memref<10240xf32, #tpu.memory_space<vmem_shared>> -> memref<10240xf32, #tpu.memory_space<vmem_shared>>
      tpu.wait_indirect_dma semaphore(%arg9 : memref<!tpu.dma_semaphore, #tpu.memory_space<semaphore_mem>>) src(%arg6 : memref<128xf32, #tpu.memory_space<vmem>>) dst(%dma_wait3A_184 : memref<10240xf32, #tpu.memory_space<vmem_shared>>)
    }
    %scan3A_53 = arith.constant 16 : i32
    %barrier3A_54 = arith.constant 0 : index
    tpu.barrier barrier_id(%barrier3A_54)
    %mul3A_55 = arith.constant 640 : i32
    %mul3A_56 = arith.muli %arg1, %mul3A_55 : i32
    "tpu.region"() ({
      %run_scoped3A = tpu.sem_alloc : memref<!tpu.dma_semaphore, #tpu.memory_space<semaphore_mem>>
      %dma_start3A = tpu.memref_slice %arg8[%mul3A_56] : memref<10240xf32, #tpu.memory_space<vmem_shared>> -> memref<640xf32, #tpu.memory_space<vmem_shared>>
      %dma_start3A_65 = tpu.memref_slice %arg8[%mul3A_56] : memref<10240xf32, #tpu.memory_space<vmem_shared>> -> memref<640xf32, #tpu.memory_space<vmem_shared>>
      tpu.enqueue_dma source(%dma_start3A_65 : memref<640xf32, #tpu.memory_space<vmem_shared>>) target(%arg7 : memref<640xf32, #tpu.memory_space<vmem>>) target_semaphore(%run_scoped3A : memref<!tpu.dma_semaphore, #tpu.memory_space<semaphore_mem>>)
      %dma_wait3A = tpu.memref_slice %arg8[%mul3A_56] : memref<10240xf32, #tpu.memory_space<vmem_shared>> -> memref<640xf32, #tpu.memory_space<vmem_shared>>
      %dma_wait3A_66 = tpu.memref_slice %arg8[%mul3A_56] : memref<10240xf32, #tpu.memory_space<vmem_shared>> -> memref<640xf32, #tpu.memory_space<vmem_shared>>
      tpu.wait_dma2 semaphore(%run_scoped3A : memref<!tpu.dma_semaphore, #tpu.memory_space<semaphore_mem>>) src(%dma_wait3A_66 : memref<640xf32, #tpu.memory_space<vmem_shared>>) dst(%arg7 : memref<640xf32, #tpu.memory_space<vmem>>)
      tpu.yield
    }) : () -> ()
    %scan3A_57 = arith.constant 0 : i32
    %scan3A_58 = arith.constant 0 : i32
    %scan3A_59 = arith.constant 40 : i32
    %scan3A_60 = arith.addi %scan3A_58, %scan3A_59 : i32
    %scan3A_61 = arith.constant 1 : i32
    scf.for %scan3A_65 = %scan3A_58 to %scan3A_60 step %scan3A_61  : i32 {
      %mul3A_66 = arith.constant 16 : i32
      %mul3A_67 = arith.muli %scan3A_65, %mul3A_66 : i32
      %get3A = arith.index_cast %mul3A_67 : i32 to index
      %get3A_68 = tpu.vector_load %arg7[%get3A] {strides = array<i32>} : memref<640xf32, #tpu.memory_space<vmem>>, vector<16xf32>,
      %get3A_69 = vector.shape_cast %get3A_68 : vector<16xf32> to vector<16xf32>
      %max3A = arith.constant 1.000000e+00 : f32
      %max3A_70 = vector.broadcast %max3A : f32 to vector<16xf32>
      %max3A_71 = arith.maximumf %get3A_69, %max3A_70 : vector<16xf32>
      %bitcast_convert_type3A = tpu.bitcast %max3A_71 : vector<16xf32> -> vector<16xi32>
      %shift_right_arithmetic3A = arith.constant 1 : i32
      %shift_right_arithmetic3A_72 = vector.broadcast %shift_right_arithmetic3A : i32 to vector<16xi32>
      %shift_right_arithmetic3A_73 = arith.shrsi %bitcast_convert_type3A, %shift_right_arithmetic3A_72 : vector<16xi32>
      %sub3A = arith.constant 1597463007 : i32
      %sub3A_74 = vector.broadcast %sub3A : i32 to vector<16xi32>
      %sub3A_75 = arith.subi %sub3A_74, %shift_right_arithmetic3A_73 : vector<16xi32>
      %bitcast_convert_type3A_76 = tpu.bitcast %sub3A_75 : vector<16xi32> -> vector<16xf32>
      %mul3A_77 = arith.constant 5.000000e-01 : f32
      %mul3A_78 = vector.broadcast %mul3A_77 : f32 to vector<16xf32>
      %mul3A_79 = arith.mulf %mul3A_78, %max3A_71 : vector<16xf32>
      %mul3A_80 = arith.mulf %mul3A_79, %bitcast_convert_type3A_76 : vector<16xf32>
      %mul3A_81 = arith.mulf %mul3A_80, %bitcast_convert_type3A_76 : vector<16xf32>
      %sub3A_82 = arith.constant 1.500000e+00 : f32
      %sub3A_83 = vector.broadcast %sub3A_82 : f32 to vector<16xf32>
      %sub3A_84 = arith.subf %sub3A_83, %mul3A_81 : vector<16xf32>
      %mul3A_85 = arith.mulf %bitcast_convert_type3A_76, %sub3A_84 : vector<16xf32>
      %mul3A_86 = arith.constant 5.000000e-01 : f32
      %mul3A_87 = vector.broadcast %mul3A_86 : f32 to vector<16xf32>
      %mul3A_88 = arith.mulf %mul3A_87, %max3A_71 : vector<16xf32>
      %mul3A_89 = arith.mulf %mul3A_88, %mul3A_85 : vector<16xf32>
      %mul3A_90 = arith.mulf %mul3A_89, %mul3A_85 : vector<16xf32>
      %sub3A_91 = arith.constant 1.500000e+00 : f32
      %sub3A_92 = vector.broadcast %sub3A_91 : f32 to vector<16xf32>
      %sub3A_93 = arith.subf %sub3A_92, %mul3A_90 : vector<16xf32>
      %mul3A_94 = arith.mulf %mul3A_85, %sub3A_93 : vector<16xf32>
      %mul3A_95 = arith.constant 5.000000e-01 : f32
      %mul3A_96 = vector.broadcast %mul3A_95 : f32 to vector<16xf32>
      %mul3A_97 = arith.mulf %mul3A_96, %max3A_71 : vector<16xf32>
      %mul3A_98 = arith.mulf %mul3A_97, %mul3A_94 : vector<16xf32>
      %mul3A_99 = arith.mulf %mul3A_98, %mul3A_94 : vector<16xf32>
      %sub3A_100 = arith.constant 1.500000e+00 : f32
      %sub3A_101 = vector.broadcast %sub3A_100 : f32 to vector<16xf32>
      %sub3A_102 = arith.subf %sub3A_101, %mul3A_99 : vector<16xf32>
      %mul3A_103 = arith.mulf %mul3A_94, %sub3A_102 : vector<16xf32>
      %mul3A_104 = arith.constant 16 : i32
      %mul3A_105 = arith.muli %scan3A_65, %mul3A_104 : i32
      %swap3A_106 = arith.index_cast %mul3A_105 : i32 to index
      %swap3A_107 = tpu.vector_load %arg7[%swap3A_106] {strides = array<i32>} : memref<640xf32, #tpu.memory_space<vmem>>, vector<16xf32>,
      %swap3A_108 = vector.shape_cast %swap3A_107 : vector<16xf32> to vector<16xf32>
      %swap3A_109 = vector.shape_cast %mul3A_103 : vector<16xf32> to vector<16xf32>
      tpu.vector_store %arg7[%swap3A_106], %swap3A_109 {strides = array<i32>} : memref<640xf32, #tpu.memory_space<vmem>>, vector<16xf32>,
    }
    %scan3A_62 = arith.constant 40 : i32
    %mul3A_63 = arith.constant 640 : i32
    %mul3A_64 = arith.muli %arg1, %mul3A_63 : i32
    "tpu.region"() ({
      %run_scoped3A = tpu.sem_alloc : memref<!tpu.dma_semaphore, #tpu.memory_space<semaphore_mem>>
      %dma_start3A = tpu.memref_slice %arg4[%arg0, %mul3A_64] : memref<2x10240xf32, #tpu.memory_space<hbm>> -> memref<1x640xf32, #tpu.memory_space<hbm>>
      %dma_start3A_65 = tpu.memref_squeeze %dma_start3A : memref<1x640xf32, #tpu.memory_space<hbm>> -> memref<640xf32, #tpu.memory_space<hbm>>
      %dma_start3A_66 = tpu.memref_slice %arg4[%arg0, %mul3A_64] : memref<2x10240xf32, #tpu.memory_space<hbm>> -> memref<1x640xf32, #tpu.memory_space<hbm>>
      %dma_start3A_67 = tpu.memref_squeeze %dma_start3A_66 : memref<1x640xf32, #tpu.memory_space<hbm>> -> memref<640xf32, #tpu.memory_space<hbm>>
      tpu.enqueue_dma source(%arg7 : memref<640xf32, #tpu.memory_space<vmem>>) target(%dma_start3A_67 : memref<640xf32, #tpu.memory_space<hbm>>) target_semaphore(%run_scoped3A : memref<!tpu.dma_semaphore, #tpu.memory_space<semaphore_mem>>)
      %dma_wait3A = tpu.memref_slice %arg4[%arg0, %mul3A_64] : memref<2x10240xf32, #tpu.memory_space<hbm>> -> memref<1x640xf32, #tpu.memory_space<hbm>>
      %dma_wait3A_68 = tpu.memref_squeeze %dma_wait3A : memref<1x640xf32, #tpu.memory_space<hbm>> -> memref<640xf32, #tpu.memory_space<hbm>>
      %dma_wait3A_69 = tpu.memref_slice %arg4[%arg0, %mul3A_64] : memref<2x10240xf32, #tpu.memory_space<hbm>> -> memref<1x640xf32, #tpu.memory_space<hbm>>
      %dma_wait3A_70 = tpu.memref_squeeze %dma_wait3A_69 : memref<1x640xf32, #tpu.memory_space<hbm>> -> memref<640xf32, #tpu.memory_space<hbm>>
      tpu.wait_dma2 semaphore(%run_scoped3A : memref<!tpu.dma_semaphore, #tpu.memory_space<semaphore_mem>>) src(%arg7 : memref<640xf32, #tpu.memory_space<vmem>>) dst(%dma_wait3A_70 : memref<640xf32, #tpu.memory_space<hbm>>)
      tpu.yield
    }) : () -> ()
    return
  }
}

#map = affine_map<(d0, d1) -> (0, 0)>
#map1 = affine_map<(d0, d1) -> (0, 0, 0)>
module attributes {stable_mosaic.version = 14 : i64} {
  func.func @_agg_body(%arg0: i32, %arg1: i32, %arg2: memref<10000x128xf32, #tpu.memory_space<hbm>>, %arg3: memref<16x160x128xi32, #tpu.memory_space<hbm>>, %arg4: memref<16x160x128xi32, #tpu.memory_space<hbm>>, %arg5: memref<10240x128xf32, #tpu.memory_space<hbm>>, %arg6: memref<10240x128xf32, #tpu.memory_space<hbm>>, %arg7: memref<32x128xi32, #tpu.memory_space<vmem>>, %arg8: memref<32x128xi32, #tpu.memory_space<vmem>>, %arg9: memref<128x128xf32, #tpu.memory_space<vmem>>, %arg10: memref<128x128xf32, #tpu.memory_space<vmem>>, %arg11: memref<10240x128xf32, #tpu.memory_space<vmem_shared>>, %arg12: memref<!tpu.dma_semaphore, #tpu.memory_space<semaphore_mem>>, %arg13: memref<!tpu.dma_semaphore, #tpu.memory_space<semaphore_mem>>, %arg14: memref<!tpu.dma_semaphore, #tpu.memory_space<semaphore_mem>>, %arg15: memref<!tpu.dma_semaphore, #tpu.memory_space<semaphore_mem>>) attributes {dimension_semantics = [#tpu.dimension_semantics<core_parallel>, #tpu.dimension_semantics<subcore_parallel>], iteration_bounds = array<i64: 1, 16>, scalar_prefetch = 0 : i64, scratch_operands = 9 : i64, tpu.core_type = #tpu.core_type<sc_vector_subcore>, window_params = [{transform_indices = #map}, {transform_indices = #map1}, {transform_indices = #map1}, {transform_indices = #map}, {transform_indices = #map}]} {
    %mul3A = arith.constant 640 : i32
    %mul3A_0 = arith.muli %arg1, %mul3A : i32
    %mul3A_1 = arith.constant 640 : i32
    %mul3A_2 = arith.muli %arg1, %mul3A_1 : i32
    "tpu.region"() ({
      %run_scoped3A = tpu.sem_alloc : memref<!tpu.dma_semaphore, #tpu.memory_space<semaphore_mem>>
      %dma_start3A = arith.constant 0 : i32
      %dma_start3A_13 = tpu.memref_slice %arg11[%mul3A_2, %dma_start3A] : memref<10240x128xf32, #tpu.memory_space<vmem_shared>> -> memref<640x128xf32, #tpu.memory_space<vmem_shared>>
      %dma_start3A_14 = arith.constant 0 : i32
      %dma_start3A_15 = tpu.memref_slice %arg5[%mul3A_0, %dma_start3A_14] : memref<10240x128xf32, #tpu.memory_space<hbm>> -> memref<640x128xf32, #tpu.memory_space<hbm>>
      tpu.enqueue_dma source(%dma_start3A_15 : memref<640x128xf32, #tpu.memory_space<hbm>>) target(%dma_start3A_13 : memref<640x128xf32, #tpu.memory_space<vmem_shared>>) target_semaphore(%run_scoped3A : memref<!tpu.dma_semaphore, #tpu.memory_space<semaphore_mem>>)
      %dma_wait3A = arith.constant 0 : i32
      %dma_wait3A_16 = tpu.memref_slice %arg11[%mul3A_2, %dma_wait3A] : memref<10240x128xf32, #tpu.memory_space<vmem_shared>> -> memref<640x128xf32, #tpu.memory_space<vmem_shared>>
      %dma_wait3A_17 = arith.constant 0 : i32
      %dma_wait3A_18 = tpu.memref_slice %arg5[%mul3A_0, %dma_wait3A_17] : memref<10240x128xf32, #tpu.memory_space<hbm>> -> memref<640x128xf32, #tpu.memory_space<hbm>>
      tpu.wait_dma2 semaphore(%run_scoped3A : memref<!tpu.dma_semaphore, #tpu.memory_space<semaphore_mem>>) src(%dma_wait3A_18 : memref<640x128xf32, #tpu.memory_space<hbm>>) dst(%dma_wait3A_16 : memref<640x128xf32, #tpu.memory_space<vmem_shared>>)
      tpu.yield
    }) : () -> ()
    %barrier3A = arith.constant 0 : index
    tpu.barrier barrier_id(%barrier3A)
    %scan3A = arith.constant 0 : i32
    %scan3A_3 = arith.constant 0 : i32
    %scan3A_4 = arith.constant 5 : i32
    %scan3A_5 = arith.addi %scan3A_3, %scan3A_4 : i32
    %scan3A_6 = arith.constant 1 : i32
    scf.for %scan3A_13 = %scan3A_3 to %scan3A_5 step %scan3A_6  : i32 {
      %mul3A_14 = arith.constant 32 : i32
      %mul3A_15 = arith.muli %scan3A_13, %mul3A_14 : i32
      "tpu.region"() ({
        %run_scoped3A = tpu.sem_alloc : memref<!tpu.dma_semaphore, #tpu.memory_space<semaphore_mem>>
        %dma_start3A = arith.constant 0 : i32
        %dma_start3A_35 = tpu.memref_slice %arg3[%arg1, %mul3A_15, %dma_start3A] : memref<16x160x128xi32, #tpu.memory_space<hbm>> -> memref<1x32x128xi32, #tpu.memory_space<hbm>>
        %dma_start3A_36 = tpu.memref_squeeze %dma_start3A_35 : memref<1x32x128xi32, #tpu.memory_space<hbm>> -> memref<32x128xi32, #tpu.memory_space<hbm>>
        %dma_start3A_37 = arith.constant 0 : i32
        %dma_start3A_38 = tpu.memref_slice %arg3[%arg1, %mul3A_15, %dma_start3A_37] : memref<16x160x128xi32, #tpu.memory_space<hbm>> -> memref<1x32x128xi32, #tpu.memory_space<hbm>>
        %dma_start3A_39 = tpu.memref_squeeze %dma_start3A_38 : memref<1x32x128xi32, #tpu.memory_space<hbm>> -> memref<32x128xi32, #tpu.memory_space<hbm>>
        tpu.enqueue_dma source(%dma_start3A_39 : memref<32x128xi32, #tpu.memory_space<hbm>>) target(%arg7 : memref<32x128xi32, #tpu.memory_space<vmem>>) target_semaphore(%run_scoped3A : memref<!tpu.dma_semaphore, #tpu.memory_space<semaphore_mem>>)
        %dma_wait3A_40 = arith.constant 0 : i32
        %dma_wait3A_41 = tpu.memref_slice %arg3[%arg1, %mul3A_15, %dma_wait3A_40] : memref<16x160x128xi32, #tpu.memory_space<hbm>> -> memref<1x32x128xi32, #tpu.memory_space<hbm>>
        %dma_wait3A_42 = tpu.memref_squeeze %dma_wait3A_41 : memref<1x32x128xi32, #tpu.memory_space<hbm>> -> memref<32x128xi32, #tpu.memory_space<hbm>>
        %dma_wait3A_43 = arith.constant 0 : i32
        %dma_wait3A_44 = tpu.memref_slice %arg3[%arg1, %mul3A_15, %dma_wait3A_43] : memref<16x160x128xi32, #tpu.memory_space<hbm>> -> memref<1x32x128xi32, #tpu.memory_space<hbm>>
        %dma_wait3A_45 = tpu.memref_squeeze %dma_wait3A_44 : memref<1x32x128xi32, #tpu.memory_space<hbm>> -> memref<32x128xi32, #tpu.memory_space<hbm>>
        tpu.wait_dma2 semaphore(%run_scoped3A : memref<!tpu.dma_semaphore, #tpu.memory_space<semaphore_mem>>) src(%dma_wait3A_45 : memref<32x128xi32, #tpu.memory_space<hbm>>) dst(%arg7 : memref<32x128xi32, #tpu.memory_space<vmem>>)
        tpu.yield
      }) : () -> ()
      %mul3A_16 = arith.constant 32 : i32
      %mul3A_17 = arith.muli %scan3A_13, %mul3A_16 : i32
      "tpu.region"() ({
        %run_scoped3A = tpu.sem_alloc : memref<!tpu.dma_semaphore, #tpu.memory_space<semaphore_mem>>
        %dma_start3A = arith.constant 0 : i32
        %dma_start3A_35 = tpu.memref_slice %arg4[%arg1, %mul3A_17, %dma_start3A] : memref<16x160x128xi32, #tpu.memory_space<hbm>> -> memref<1x32x128xi32, #tpu.memory_space<hbm>>
        %dma_start3A_36 = tpu.memref_squeeze %dma_start3A_35 : memref<1x32x128xi32, #tpu.memory_space<hbm>> -> memref<32x128xi32, #tpu.memory_space<hbm>>
        %dma_start3A_37 = arith.constant 0 : i32
        %dma_start3A_38 = tpu.memref_slice %arg4[%arg1, %mul3A_17, %dma_start3A_37] : memref<16x160x128xi32, #tpu.memory_space<hbm>> -> memref<1x32x128xi32, #tpu.memory_space<hbm>>
        %dma_start3A_39 = tpu.memref_squeeze %dma_start3A_38 : memref<1x32x128xi32, #tpu.memory_space<hbm>> -> memref<32x128xi32, #tpu.memory_space<hbm>>
        tpu.enqueue_dma source(%dma_start3A_39 : memref<32x128xi32, #tpu.memory_space<hbm>>) target(%arg8 : memref<32x128xi32, #tpu.memory_space<vmem>>) target_semaphore(%run_scoped3A : memref<!tpu.dma_semaphore, #tpu.memory_space<semaphore_mem>>)
        %dma_wait3A_40 = arith.constant 0 : i32
        %dma_wait3A_41 = tpu.memref_slice %arg4[%arg1, %mul3A_17, %dma_wait3A_40] : memref<16x160x128xi32, #tpu.memory_space<hbm>> -> memref<1x32x128xi32, #tpu.memory_space<hbm>>
        %dma_wait3A_42 = tpu.memref_squeeze %dma_wait3A_41 : memref<1x32x128xi32, #tpu.memory_space<hbm>> -> memref<32x128xi32, #tpu.memory_space<hbm>>
        %dma_wait3A_43 = arith.constant 0 : i32
        %dma_wait3A_44 = tpu.memref_slice %arg4[%arg1, %mul3A_17, %dma_wait3A_43] : memref<16x160x128xi32, #tpu.memory_space<hbm>> -> memref<1x32x128xi32, #tpu.memory_space<hbm>>
        %dma_wait3A_45 = tpu.memref_squeeze %dma_wait3A_44 : memref<1x32x128xi32, #tpu.memory_space<hbm>> -> memref<32x128xi32, #tpu.memory_space<hbm>>
        tpu.wait_dma2 semaphore(%run_scoped3A : memref<!tpu.dma_semaphore, #tpu.memory_space<semaphore_mem>>) src(%dma_wait3A_45 : memref<32x128xi32, #tpu.memory_space<hbm>>) dst(%arg8 : memref<32x128xi32, #tpu.memory_space<vmem>>)
        tpu.yield
      }) : () -> ()
      %scan3A_18 = arith.constant 0 : i32
      %scan3A_19 = arith.constant 0 : i32
      %scan3A_20 = arith.constant 16 : i32
      %scan3A_21 = arith.addi %scan3A_19, %scan3A_20 : i32
      %scan3A_22 = arith.constant 1 : i32
      scf.for %scan3A_35 = %scan3A_19 to %scan3A_21 step %scan3A_22  : i32 {
        %mul3A_36 = arith.constant 2 : i32
        %mul3A_37 = arith.muli %scan3A_35, %mul3A_36 : i32
        %gt3A = arith.constant 0 : i32
        %gt3A_38 = arith.cmpi sgt, %scan3A_35, %gt3A : i32
        %convert_element_type3A = arith.extui %gt3A_38 : i1 to i32
        %cond3A = arith.constant 0 : i32
        %cond3A_39 = arith.cmpi ne, %convert_element_type3A, %cond3A : i32
        scf.if %cond3A_39 {
          %dma_wait3A_87 = arith.constant 0 : i32
          %dma_wait3A_88 = arith.constant 0 : i32
          %dma_wait3A_89 = tpu.memref_slice %arg2[%dma_wait3A_87, %dma_wait3A_88] : memref<10000x128xf32, #tpu.memory_space<hbm>> -> memref<128x128xf32, #tpu.memory_space<hbm>>
          %dma_wait3A_90 = arith.constant 0 : i32
          %dma_wait3A_91 = arith.constant 0 : i32
          %dma_wait3A_92 = tpu.memref_slice %arg2[%dma_wait3A_90, %dma_wait3A_91] : memref<10000x128xf32, #tpu.memory_space<hbm>> -> memref<128x128xf32, #tpu.memory_space<hbm>>
          tpu.wait_dma2 semaphore(%arg14 : memref<!tpu.dma_semaphore, #tpu.memory_space<semaphore_mem>>) src(%dma_wait3A_92 : memref<128x128xf32, #tpu.memory_space<hbm>>) dst(%arg9 : memref<128x128xf32, #tpu.memory_space<vmem>>)
        } else {
        }
        %add3A = arith.constant 0 : i32
        %add3A_40 = arith.addi %mul3A_37, %add3A : i32
        %dma_start3A = arith.constant 0 : i32
        %dma_start3A_41 = tpu.memref_slice %arg7[%add3A_40, %dma_start3A] : memref<32x128xi32, #tpu.memory_space<vmem>> -> memref<1x128xi32, #tpu.memory_space<vmem>>
        %dma_start3A_42 = tpu.memref_squeeze %dma_start3A_41 : memref<1x128xi32, #tpu.memory_space<vmem>> -> memref<128xi32, #tpu.memory_space<vmem>>
        %dma_start3A_43 = arith.constant 0 : i32
        %dma_start3A_44 = arith.constant 0 : i32
        %dma_start3A_45 = tpu.memref_slice %arg2[%dma_start3A_43, %dma_start3A_44] : memref<10000x128xf32, #tpu.memory_space<hbm>> -> memref<10000x128xf32, #tpu.memory_space<hbm>>
        tpu.enqueue_indirect_dma source(%dma_start3A_45 : memref<10000x128xf32, #tpu.memory_space<hbm>>) target(%arg9 : memref<128x128xf32, #tpu.memory_space<vmem>>) offsets(%dma_start3A_42 : memref<128xi32, #tpu.memory_space<vmem>>) semaphore(%arg12 : memref<!tpu.dma_semaphore, #tpu.memory_space<semaphore_mem>>)
        %gt3A_46 = arith.constant 0 : i32
        %gt3A_47 = arith.cmpi sgt, %scan3A_35, %gt3A_46 : i32
        %convert_element_type3A_48 = arith.extui %gt3A_47 : i1 to i32
        %cond3A_49 = arith.constant 0 : i32
        %cond3A_50 = arith.cmpi ne, %convert_element_type3A_48, %cond3A_49 : i32
        scf.if %cond3A_50 {
          %dma_wait3A_87 = arith.constant 0 : i32
          %dma_wait3A_88 = arith.constant 0 : i32
          %dma_wait3A_89 = tpu.memref_slice %arg2[%dma_wait3A_87, %dma_wait3A_88] : memref<10000x128xf32, #tpu.memory_space<hbm>> -> memref<128x128xf32, #tpu.memory_space<hbm>>
          %dma_wait3A_90 = arith.constant 0 : i32
          %dma_wait3A_91 = arith.constant 0 : i32
          %dma_wait3A_92 = tpu.memref_slice %arg2[%dma_wait3A_90, %dma_wait3A_91] : memref<10000x128xf32, #tpu.memory_space<hbm>> -> memref<128x128xf32, #tpu.memory_space<hbm>>
          tpu.wait_dma2 semaphore(%arg15 : memref<!tpu.dma_semaphore, #tpu.memory_space<semaphore_mem>>) src(%dma_wait3A_92 : memref<128x128xf32, #tpu.memory_space<hbm>>) dst(%arg10 : memref<128x128xf32, #tpu.memory_space<vmem>>)
        } else {
        }
        %add3A_51 = arith.constant 1 : i32
        %add3A_52 = arith.addi %mul3A_37, %add3A_51 : i32
        %dma_start3A_53 = arith.constant 0 : i32
        %dma_start3A_54 = tpu.memref_slice %arg7[%add3A_52, %dma_start3A_53] : memref<32x128xi32, #tpu.memory_space<vmem>> -> memref<1x128xi32, #tpu.memory_space<vmem>>
        %dma_start3A_55 = tpu.memref_squeeze %dma_start3A_54 : memref<1x128xi32, #tpu.memory_space<vmem>> -> memref<128xi32, #tpu.memory_space<vmem>>
        %dma_start3A_56 = arith.constant 0 : i32
        %dma_start3A_57 = arith.constant 0 : i32
        %dma_start3A_58 = tpu.memref_slice %arg2[%dma_start3A_56, %dma_start3A_57] : memref<10000x128xf32, #tpu.memory_space<hbm>> -> memref<10000x128xf32, #tpu.memory_space<hbm>>
        tpu.enqueue_indirect_dma source(%dma_start3A_58 : memref<10000x128xf32, #tpu.memory_space<hbm>>) target(%arg10 : memref<128x128xf32, #tpu.memory_space<vmem>>) offsets(%dma_start3A_55 : memref<128xi32, #tpu.memory_space<vmem>>) semaphore(%arg13 : memref<!tpu.dma_semaphore, #tpu.memory_space<semaphore_mem>>)
        %dma_wait3A_59 = arith.constant 0 : i32
        %dma_wait3A_60 = tpu.memref_slice %arg7[%add3A_40, %dma_wait3A_59] : memref<32x128xi32, #tpu.memory_space<vmem>> -> memref<1x128xi32, #tpu.memory_space<vmem>>
        %dma_wait3A_61 = tpu.memref_squeeze %dma_wait3A_60 : memref<1x128xi32, #tpu.memory_space<vmem>> -> memref<128xi32, #tpu.memory_space<vmem>>
        %dma_wait3A_62 = arith.constant 0 : i32
        %dma_wait3A_63 = arith.constant 0 : i32
        %dma_wait3A_64 = tpu.memref_slice %arg2[%dma_wait3A_62, %dma_wait3A_63] : memref<10000x128xf32, #tpu.memory_space<hbm>> -> memref<10000x128xf32, #tpu.memory_space<hbm>>
        tpu.wait_indirect_dma semaphore(%arg12 : memref<!tpu.dma_semaphore, #tpu.memory_space<semaphore_mem>>) src(%dma_wait3A_64 : memref<10000x128xf32, #tpu.memory_space<hbm>>) dst(%arg9 : memref<128x128xf32, #tpu.memory_space<vmem>>)
        %add3A_65 = arith.constant 0 : i32
        %add3A_66 = arith.addi %mul3A_37, %add3A_65 : i32
        %dma_start3A_67 = arith.constant 0 : i32
        %dma_start3A_68 = tpu.memref_slice %arg8[%add3A_66, %dma_start3A_67] : memref<32x128xi32, #tpu.memory_space<vmem>> -> memref<1x128xi32, #tpu.memory_space<vmem>>
        %dma_start3A_69 = tpu.memref_squeeze %dma_start3A_68 : memref<1x128xi32, #tpu.memory_space<vmem>> -> memref<128xi32, #tpu.memory_space<vmem>>
        %dma_start3A_70 = arith.constant 0 : i32
        %dma_start3A_71 = arith.constant 0 : i32
        %dma_start3A_72 = tpu.memref_slice %arg11[%dma_start3A_70, %dma_start3A_71] : memref<10240x128xf32, #tpu.memory_space<vmem_shared>> -> memref<10240x128xf32, #tpu.memory_space<vmem_shared>>
        tpu.enqueue_indirect_dma source(%arg9 : memref<128x128xf32, #tpu.memory_space<vmem>>) target(%dma_start3A_72 : memref<10240x128xf32, #tpu.memory_space<vmem_shared>>) offsets(%dma_start3A_69 : memref<128xi32, #tpu.memory_space<vmem>>) semaphore(%arg14 : memref<!tpu.dma_semaphore, #tpu.memory_space<semaphore_mem>>) {add = true}
        %dma_wait3A_73 = arith.constant 0 : i32
        %dma_wait3A_74 = tpu.memref_slice %arg7[%add3A_52, %dma_wait3A_73] : memref<32x128xi32, #tpu.memory_space<vmem>> -> memref<1x128xi32, #tpu.memory_space<vmem>>
        %dma_wait3A_75 = tpu.memref_squeeze %dma_wait3A_74 : memref<1x128xi32, #tpu.memory_space<vmem>> -> memref<128xi32, #tpu.memory_space<vmem>>
        %dma_wait3A_76 = arith.constant 0 : i32
        %dma_wait3A_77 = arith.constant 0 : i32
        %dma_wait3A_78 = tpu.memref_slice %arg2[%dma_wait3A_76, %dma_wait3A_77] : memref<10000x128xf32, #tpu.memory_space<hbm>> -> memref<10000x128xf32, #tpu.memory_space<hbm>>
        tpu.wait_indirect_dma semaphore(%arg13 : memref<!tpu.dma_semaphore, #tpu.memory_space<semaphore_mem>>) src(%dma_wait3A_78 : memref<10000x128xf32, #tpu.memory_space<hbm>>) dst(%arg10 : memref<128x128xf32, #tpu.memory_space<vmem>>)
        %add3A_79 = arith.constant 1 : i32
        %add3A_80 = arith.addi %mul3A_37, %add3A_79 : i32
        %dma_start3A_81 = arith.constant 0 : i32
        %dma_start3A_82 = tpu.memref_slice %arg8[%add3A_80, %dma_start3A_81] : memref<32x128xi32, #tpu.memory_space<vmem>> -> memref<1x128xi32, #tpu.memory_space<vmem>>
        %dma_start3A_83 = tpu.memref_squeeze %dma_start3A_82 : memref<1x128xi32, #tpu.memory_space<vmem>> -> memref<128xi32, #tpu.memory_space<vmem>>
        %dma_start3A_84 = arith.constant 0 : i32
        %dma_start3A_85 = arith.constant 0 : i32
        %dma_start3A_86 = tpu.memref_slice %arg11[%dma_start3A_84, %dma_start3A_85] : memref<10240x128xf32, #tpu.memory_space<vmem_shared>> -> memref<10240x128xf32, #tpu.memory_space<vmem_shared>>
        tpu.enqueue_indirect_dma source(%arg10 : memref<128x128xf32, #tpu.memory_space<vmem>>) target(%dma_start3A_86 : memref<10240x128xf32, #tpu.memory_space<vmem_shared>>) offsets(%dma_start3A_83 : memref<128xi32, #tpu.memory_space<vmem>>) semaphore(%arg15 : memref<!tpu.dma_semaphore, #tpu.memory_space<semaphore_mem>>) {add = true}
      }
      %scan3A_23 = arith.constant 16 : i32
      %dma_wait3A = arith.constant 0 : i32
      %dma_wait3A_24 = arith.constant 0 : i32
      %dma_wait3A_25 = tpu.memref_slice %arg2[%dma_wait3A, %dma_wait3A_24] : memref<10000x128xf32, #tpu.memory_space<hbm>> -> memref<128x128xf32, #tpu.memory_space<hbm>>
      %dma_wait3A_26 = arith.constant 0 : i32
      %dma_wait3A_27 = arith.constant 0 : i32
      %dma_wait3A_28 = tpu.memref_slice %arg2[%dma_wait3A_26, %dma_wait3A_27] : memref<10000x128xf32, #tpu.memory_space<hbm>> -> memref<128x128xf32, #tpu.memory_space<hbm>>
      tpu.wait_dma2 semaphore(%arg14 : memref<!tpu.dma_semaphore, #tpu.memory_space<semaphore_mem>>) src(%dma_wait3A_28 : memref<128x128xf32, #tpu.memory_space<hbm>>) dst(%arg9 : memref<128x128xf32, #tpu.memory_space<vmem>>)
      %dma_wait3A_29 = arith.constant 0 : i32
      %dma_wait3A_30 = arith.constant 0 : i32
      %dma_wait3A_31 = tpu.memref_slice %arg2[%dma_wait3A_29, %dma_wait3A_30] : memref<10000x128xf32, #tpu.memory_space<hbm>> -> memref<128x128xf32, #tpu.memory_space<hbm>>
      %dma_wait3A_32 = arith.constant 0 : i32
      %dma_wait3A_33 = arith.constant 0 : i32
      %dma_wait3A_34 = tpu.memref_slice %arg2[%dma_wait3A_32, %dma_wait3A_33] : memref<10000x128xf32, #tpu.memory_space<hbm>> -> memref<128x128xf32, #tpu.memory_space<hbm>>
      tpu.wait_dma2 semaphore(%arg15 : memref<!tpu.dma_semaphore, #tpu.memory_space<semaphore_mem>>) src(%dma_wait3A_34 : memref<128x128xf32, #tpu.memory_space<hbm>>) dst(%arg10 : memref<128x128xf32, #tpu.memory_space<vmem>>)
    }
    %scan3A_7 = arith.constant 5 : i32
    %barrier3A_8 = arith.constant 0 : index
    tpu.barrier barrier_id(%barrier3A_8)
    %mul3A_9 = arith.constant 640 : i32
    %mul3A_10 = arith.muli %arg1, %mul3A_9 : i32
    %mul3A_11 = arith.constant 640 : i32
    %mul3A_12 = arith.muli %arg1, %mul3A_11 : i32
    "tpu.region"() ({
      %run_scoped3A = tpu.sem_alloc : memref<!tpu.dma_semaphore, #tpu.memory_space<semaphore_mem>>
      %dma_start3A = arith.constant 0 : i32
      %dma_start3A_13 = tpu.memref_slice %arg6[%mul3A_12, %dma_start3A] : memref<10240x128xf32, #tpu.memory_space<hbm>> -> memref<640x128xf32, #tpu.memory_space<hbm>>
      %dma_start3A_14 = arith.constant 0 : i32
      %dma_start3A_15 = tpu.memref_slice %arg11[%mul3A_10, %dma_start3A_14] : memref<10240x128xf32, #tpu.memory_space<vmem_shared>> -> memref<640x128xf32, #tpu.memory_space<vmem_shared>>
      tpu.enqueue_dma source(%dma_start3A_15 : memref<640x128xf32, #tpu.memory_space<vmem_shared>>) target(%dma_start3A_13 : memref<640x128xf32, #tpu.memory_space<hbm>>) target_semaphore(%run_scoped3A : memref<!tpu.dma_semaphore, #tpu.memory_space<semaphore_mem>>)
      %dma_wait3A = arith.constant 0 : i32
      %dma_wait3A_16 = tpu.memref_slice %arg6[%mul3A_12, %dma_wait3A] : memref<10240x128xf32, #tpu.memory_space<hbm>> -> memref<640x128xf32, #tpu.memory_space<hbm>>
      %dma_wait3A_17 = arith.constant 0 : i32
      %dma_wait3A_18 = tpu.memref_slice %arg11[%mul3A_10, %dma_wait3A_17] : memref<10240x128xf32, #tpu.memory_space<vmem_shared>> -> memref<640x128xf32, #tpu.memory_space<vmem_shared>>
      tpu.wait_dma2 semaphore(%run_scoped3A : memref<!tpu.dma_semaphore, #tpu.memory_space<semaphore_mem>>) src(%dma_wait3A_18 : memref<640x128xf32, #tpu.memory_space<vmem_shared>>) dst(%dma_wait3A_16 : memref<640x128xf32, #tpu.memory_space<hbm>>)
      tpu.yield
    }) : () -> ()
    return
  }
}

#map = affine_map<(d0, d1) -> (0, 0)>
#map1 = affine_map<(d0, d1) -> (0, 0, 0)>
module attributes {stable_mosaic.version = 14 : i64} {
  func.func @_agg_body(%arg0: i32, %arg1: i32, %arg2: memref<10000x128xf32, #tpu.memory_space<hbm>>, %arg3: memref<16x160x128xi32, #tpu.memory_space<hbm>>, %arg4: memref<16x160x128xi32, #tpu.memory_space<hbm>>, %arg5: memref<10240x128xf32, #tpu.memory_space<hbm>>, %arg6: memref<10240x128xf32, #tpu.memory_space<hbm>>, %arg7: memref<32x128xi32, #tpu.memory_space<vmem>>, %arg8: memref<32x128xi32, #tpu.memory_space<vmem>>, %arg9: memref<128x128xf32, #tpu.memory_space<vmem>>, %arg10: memref<128x128xf32, #tpu.memory_space<vmem>>, %arg11: memref<10240x128xf32, #tpu.memory_space<vmem_shared>>, %arg12: memref<!tpu.dma_semaphore, #tpu.memory_space<semaphore_mem>>, %arg13: memref<!tpu.dma_semaphore, #tpu.memory_space<semaphore_mem>>, %arg14: memref<!tpu.dma_semaphore, #tpu.memory_space<semaphore_mem>>, %arg15: memref<!tpu.dma_semaphore, #tpu.memory_space<semaphore_mem>>) attributes {dimension_semantics = [#tpu.dimension_semantics<core_parallel>, #tpu.dimension_semantics<subcore_parallel>], iteration_bounds = array<i64: 1, 16>, scalar_prefetch = 0 : i64, scratch_operands = 9 : i64, tpu.core_type = #tpu.core_type<sc_vector_subcore>, window_params = [{transform_indices = #map}, {transform_indices = #map1}, {transform_indices = #map1}, {transform_indices = #map}, {transform_indices = #map}]} {
    %mul3A = arith.constant 640 : i32
    %mul3A_0 = arith.muli %arg1, %mul3A : i32
    %mul3A_1 = arith.constant 640 : i32
    %mul3A_2 = arith.muli %arg1, %mul3A_1 : i32
    "tpu.region"() ({
      %run_scoped3A = tpu.sem_alloc : memref<!tpu.dma_semaphore, #tpu.memory_space<semaphore_mem>>
      %dma_start3A = arith.constant 0 : i32
      %dma_start3A_13 = tpu.memref_slice %arg11[%mul3A_2, %dma_start3A] : memref<10240x128xf32, #tpu.memory_space<vmem_shared>> -> memref<640x128xf32, #tpu.memory_space<vmem_shared>>
      %dma_start3A_14 = arith.constant 0 : i32
      %dma_start3A_15 = tpu.memref_slice %arg5[%mul3A_0, %dma_start3A_14] : memref<10240x128xf32, #tpu.memory_space<hbm>> -> memref<640x128xf32, #tpu.memory_space<hbm>>
      tpu.enqueue_dma source(%dma_start3A_15 : memref<640x128xf32, #tpu.memory_space<hbm>>) target(%dma_start3A_13 : memref<640x128xf32, #tpu.memory_space<vmem_shared>>) target_semaphore(%run_scoped3A : memref<!tpu.dma_semaphore, #tpu.memory_space<semaphore_mem>>)
      %dma_wait3A = arith.constant 0 : i32
      %dma_wait3A_16 = tpu.memref_slice %arg11[%mul3A_2, %dma_wait3A] : memref<10240x128xf32, #tpu.memory_space<vmem_shared>> -> memref<640x128xf32, #tpu.memory_space<vmem_shared>>
      %dma_wait3A_17 = arith.constant 0 : i32
      %dma_wait3A_18 = tpu.memref_slice %arg5[%mul3A_0, %dma_wait3A_17] : memref<10240x128xf32, #tpu.memory_space<hbm>> -> memref<640x128xf32, #tpu.memory_space<hbm>>
      tpu.wait_dma2 semaphore(%run_scoped3A : memref<!tpu.dma_semaphore, #tpu.memory_space<semaphore_mem>>) src(%dma_wait3A_18 : memref<640x128xf32, #tpu.memory_space<hbm>>) dst(%dma_wait3A_16 : memref<640x128xf32, #tpu.memory_space<vmem_shared>>)
      tpu.yield
    }) : () -> ()
    %barrier3A = arith.constant 0 : index
    tpu.barrier barrier_id(%barrier3A)
    %scan3A = arith.constant 0 : i32
    %scan3A_3 = arith.constant 0 : i32
    %scan3A_4 = arith.constant 5 : i32
    %scan3A_5 = arith.addi %scan3A_3, %scan3A_4 : i32
    %scan3A_6 = arith.constant 1 : i32
    scf.for %scan3A_13 = %scan3A_3 to %scan3A_5 step %scan3A_6  : i32 {
      %mul3A_14 = arith.constant 32 : i32
      %mul3A_15 = arith.muli %scan3A_13, %mul3A_14 : i32
      "tpu.region"() ({
        %run_scoped3A = tpu.sem_alloc : memref<!tpu.dma_semaphore, #tpu.memory_space<semaphore_mem>>
        %dma_start3A = arith.constant 0 : i32
        %dma_start3A_35 = tpu.memref_slice %arg3[%arg1, %mul3A_15, %dma_start3A] : memref<16x160x128xi32, #tpu.memory_space<hbm>> -> memref<1x32x128xi32, #tpu.memory_space<hbm>>
        %dma_start3A_36 = tpu.memref_squeeze %dma_start3A_35 : memref<1x32x128xi32, #tpu.memory_space<hbm>> -> memref<32x128xi32, #tpu.memory_space<hbm>>
        %dma_start3A_37 = arith.constant 0 : i32
        %dma_start3A_38 = tpu.memref_slice %arg3[%arg1, %mul3A_15, %dma_start3A_37] : memref<16x160x128xi32, #tpu.memory_space<hbm>> -> memref<1x32x128xi32, #tpu.memory_space<hbm>>
        %dma_start3A_39 = tpu.memref_squeeze %dma_start3A_38 : memref<1x32x128xi32, #tpu.memory_space<hbm>> -> memref<32x128xi32, #tpu.memory_space<hbm>>
        tpu.enqueue_dma source(%dma_start3A_39 : memref<32x128xi32, #tpu.memory_space<hbm>>) target(%arg7 : memref<32x128xi32, #tpu.memory_space<vmem>>) target_semaphore(%run_scoped3A : memref<!tpu.dma_semaphore, #tpu.memory_space<semaphore_mem>>)
        %dma_wait3A_40 = arith.constant 0 : i32
        %dma_wait3A_41 = tpu.memref_slice %arg3[%arg1, %mul3A_15, %dma_wait3A_40] : memref<16x160x128xi32, #tpu.memory_space<hbm>> -> memref<1x32x128xi32, #tpu.memory_space<hbm>>
        %dma_wait3A_42 = tpu.memref_squeeze %dma_wait3A_41 : memref<1x32x128xi32, #tpu.memory_space<hbm>> -> memref<32x128xi32, #tpu.memory_space<hbm>>
        %dma_wait3A_43 = arith.constant 0 : i32
        %dma_wait3A_44 = tpu.memref_slice %arg3[%arg1, %mul3A_15, %dma_wait3A_43] : memref<16x160x128xi32, #tpu.memory_space<hbm>> -> memref<1x32x128xi32, #tpu.memory_space<hbm>>
        %dma_wait3A_45 = tpu.memref_squeeze %dma_wait3A_44 : memref<1x32x128xi32, #tpu.memory_space<hbm>> -> memref<32x128xi32, #tpu.memory_space<hbm>>
        tpu.wait_dma2 semaphore(%run_scoped3A : memref<!tpu.dma_semaphore, #tpu.memory_space<semaphore_mem>>) src(%dma_wait3A_45 : memref<32x128xi32, #tpu.memory_space<hbm>>) dst(%arg7 : memref<32x128xi32, #tpu.memory_space<vmem>>)
        tpu.yield
      }) : () -> ()
      %mul3A_16 = arith.constant 32 : i32
      %mul3A_17 = arith.muli %scan3A_13, %mul3A_16 : i32
      "tpu.region"() ({
        %run_scoped3A = tpu.sem_alloc : memref<!tpu.dma_semaphore, #tpu.memory_space<semaphore_mem>>
        %dma_start3A = arith.constant 0 : i32
        %dma_start3A_35 = tpu.memref_slice %arg4[%arg1, %mul3A_17, %dma_start3A] : memref<16x160x128xi32, #tpu.memory_space<hbm>> -> memref<1x32x128xi32, #tpu.memory_space<hbm>>
        %dma_start3A_36 = tpu.memref_squeeze %dma_start3A_35 : memref<1x32x128xi32, #tpu.memory_space<hbm>> -> memref<32x128xi32, #tpu.memory_space<hbm>>
        %dma_start3A_37 = arith.constant 0 : i32
        %dma_start3A_38 = tpu.memref_slice %arg4[%arg1, %mul3A_17, %dma_start3A_37] : memref<16x160x128xi32, #tpu.memory_space<hbm>> -> memref<1x32x128xi32, #tpu.memory_space<hbm>>
        %dma_start3A_39 = tpu.memref_squeeze %dma_start3A_38 : memref<1x32x128xi32, #tpu.memory_space<hbm>> -> memref<32x128xi32, #tpu.memory_space<hbm>>
        tpu.enqueue_dma source(%dma_start3A_39 : memref<32x128xi32, #tpu.memory_space<hbm>>) target(%arg8 : memref<32x128xi32, #tpu.memory_space<vmem>>) target_semaphore(%run_scoped3A : memref<!tpu.dma_semaphore, #tpu.memory_space<semaphore_mem>>)
        %dma_wait3A_40 = arith.constant 0 : i32
        %dma_wait3A_41 = tpu.memref_slice %arg4[%arg1, %mul3A_17, %dma_wait3A_40] : memref<16x160x128xi32, #tpu.memory_space<hbm>> -> memref<1x32x128xi32, #tpu.memory_space<hbm>>
        %dma_wait3A_42 = tpu.memref_squeeze %dma_wait3A_41 : memref<1x32x128xi32, #tpu.memory_space<hbm>> -> memref<32x128xi32, #tpu.memory_space<hbm>>
        %dma_wait3A_43 = arith.constant 0 : i32
        %dma_wait3A_44 = tpu.memref_slice %arg4[%arg1, %mul3A_17, %dma_wait3A_43] : memref<16x160x128xi32, #tpu.memory_space<hbm>> -> memref<1x32x128xi32, #tpu.memory_space<hbm>>
        %dma_wait3A_45 = tpu.memref_squeeze %dma_wait3A_44 : memref<1x32x128xi32, #tpu.memory_space<hbm>> -> memref<32x128xi32, #tpu.memory_space<hbm>>
        tpu.wait_dma2 semaphore(%run_scoped3A : memref<!tpu.dma_semaphore, #tpu.memory_space<semaphore_mem>>) src(%dma_wait3A_45 : memref<32x128xi32, #tpu.memory_space<hbm>>) dst(%arg8 : memref<32x128xi32, #tpu.memory_space<vmem>>)
        tpu.yield
      }) : () -> ()
      %scan3A_18 = arith.constant 0 : i32
      %scan3A_19 = arith.constant 0 : i32
      %scan3A_20 = arith.constant 16 : i32
      %scan3A_21 = arith.addi %scan3A_19, %scan3A_20 : i32
      %scan3A_22 = arith.constant 1 : i32
      scf.for %scan3A_35 = %scan3A_19 to %scan3A_21 step %scan3A_22  : i32 {
        %mul3A_36 = arith.constant 2 : i32
        %mul3A_37 = arith.muli %scan3A_35, %mul3A_36 : i32
        %gt3A = arith.constant 0 : i32
        %gt3A_38 = arith.cmpi sgt, %scan3A_35, %gt3A : i32
        %convert_element_type3A = arith.extui %gt3A_38 : i1 to i32
        %cond3A = arith.constant 0 : i32
        %cond3A_39 = arith.cmpi ne, %convert_element_type3A, %cond3A : i32
        scf.if %cond3A_39 {
          %dma_wait3A_87 = arith.constant 0 : i32
          %dma_wait3A_88 = arith.constant 0 : i32
          %dma_wait3A_89 = tpu.memref_slice %arg2[%dma_wait3A_87, %dma_wait3A_88] : memref<10000x128xf32, #tpu.memory_space<hbm>> -> memref<128x128xf32, #tpu.memory_space<hbm>>
          %dma_wait3A_90 = arith.constant 0 : i32
          %dma_wait3A_91 = arith.constant 0 : i32
          %dma_wait3A_92 = tpu.memref_slice %arg2[%dma_wait3A_90, %dma_wait3A_91] : memref<10000x128xf32, #tpu.memory_space<hbm>> -> memref<128x128xf32, #tpu.memory_space<hbm>>
          tpu.wait_dma2 semaphore(%arg14 : memref<!tpu.dma_semaphore, #tpu.memory_space<semaphore_mem>>) src(%dma_wait3A_92 : memref<128x128xf32, #tpu.memory_space<hbm>>) dst(%arg9 : memref<128x128xf32, #tpu.memory_space<vmem>>)
        } else {
        }
        %add3A = arith.constant 0 : i32
        %add3A_40 = arith.addi %mul3A_37, %add3A : i32
        %dma_start3A = arith.constant 0 : i32
        %dma_start3A_41 = tpu.memref_slice %arg7[%add3A_40, %dma_start3A] : memref<32x128xi32, #tpu.memory_space<vmem>> -> memref<1x128xi32, #tpu.memory_space<vmem>>
        %dma_start3A_42 = tpu.memref_squeeze %dma_start3A_41 : memref<1x128xi32, #tpu.memory_space<vmem>> -> memref<128xi32, #tpu.memory_space<vmem>>
        %dma_start3A_43 = arith.constant 0 : i32
        %dma_start3A_44 = arith.constant 0 : i32
        %dma_start3A_45 = tpu.memref_slice %arg2[%dma_start3A_43, %dma_start3A_44] : memref<10000x128xf32, #tpu.memory_space<hbm>> -> memref<10000x128xf32, #tpu.memory_space<hbm>>
        tpu.enqueue_indirect_dma source(%dma_start3A_45 : memref<10000x128xf32, #tpu.memory_space<hbm>>) target(%arg9 : memref<128x128xf32, #tpu.memory_space<vmem>>) offsets(%dma_start3A_42 : memref<128xi32, #tpu.memory_space<vmem>>) semaphore(%arg12 : memref<!tpu.dma_semaphore, #tpu.memory_space<semaphore_mem>>)
        %gt3A_46 = arith.constant 0 : i32
        %gt3A_47 = arith.cmpi sgt, %scan3A_35, %gt3A_46 : i32
        %convert_element_type3A_48 = arith.extui %gt3A_47 : i1 to i32
        %cond3A_49 = arith.constant 0 : i32
        %cond3A_50 = arith.cmpi ne, %convert_element_type3A_48, %cond3A_49 : i32
        scf.if %cond3A_50 {
          %dma_wait3A_87 = arith.constant 0 : i32
          %dma_wait3A_88 = arith.constant 0 : i32
          %dma_wait3A_89 = tpu.memref_slice %arg2[%dma_wait3A_87, %dma_wait3A_88] : memref<10000x128xf32, #tpu.memory_space<hbm>> -> memref<128x128xf32, #tpu.memory_space<hbm>>
          %dma_wait3A_90 = arith.constant 0 : i32
          %dma_wait3A_91 = arith.constant 0 : i32
          %dma_wait3A_92 = tpu.memref_slice %arg2[%dma_wait3A_90, %dma_wait3A_91] : memref<10000x128xf32, #tpu.memory_space<hbm>> -> memref<128x128xf32, #tpu.memory_space<hbm>>
          tpu.wait_dma2 semaphore(%arg15 : memref<!tpu.dma_semaphore, #tpu.memory_space<semaphore_mem>>) src(%dma_wait3A_92 : memref<128x128xf32, #tpu.memory_space<hbm>>) dst(%arg10 : memref<128x128xf32, #tpu.memory_space<vmem>>)
        } else {
        }
        %add3A_51 = arith.constant 1 : i32
        %add3A_52 = arith.addi %mul3A_37, %add3A_51 : i32
        %dma_start3A_53 = arith.constant 0 : i32
        %dma_start3A_54 = tpu.memref_slice %arg7[%add3A_52, %dma_start3A_53] : memref<32x128xi32, #tpu.memory_space<vmem>> -> memref<1x128xi32, #tpu.memory_space<vmem>>
        %dma_start3A_55 = tpu.memref_squeeze %dma_start3A_54 : memref<1x128xi32, #tpu.memory_space<vmem>> -> memref<128xi32, #tpu.memory_space<vmem>>
        %dma_start3A_56 = arith.constant 0 : i32
        %dma_start3A_57 = arith.constant 0 : i32
        %dma_start3A_58 = tpu.memref_slice %arg2[%dma_start3A_56, %dma_start3A_57] : memref<10000x128xf32, #tpu.memory_space<hbm>> -> memref<10000x128xf32, #tpu.memory_space<hbm>>
        tpu.enqueue_indirect_dma source(%dma_start3A_58 : memref<10000x128xf32, #tpu.memory_space<hbm>>) target(%arg10 : memref<128x128xf32, #tpu.memory_space<vmem>>) offsets(%dma_start3A_55 : memref<128xi32, #tpu.memory_space<vmem>>) semaphore(%arg13 : memref<!tpu.dma_semaphore, #tpu.memory_space<semaphore_mem>>)
        %dma_wait3A_59 = arith.constant 0 : i32
        %dma_wait3A_60 = tpu.memref_slice %arg7[%add3A_40, %dma_wait3A_59] : memref<32x128xi32, #tpu.memory_space<vmem>> -> memref<1x128xi32, #tpu.memory_space<vmem>>
        %dma_wait3A_61 = tpu.memref_squeeze %dma_wait3A_60 : memref<1x128xi32, #tpu.memory_space<vmem>> -> memref<128xi32, #tpu.memory_space<vmem>>
        %dma_wait3A_62 = arith.constant 0 : i32
        %dma_wait3A_63 = arith.constant 0 : i32
        %dma_wait3A_64 = tpu.memref_slice %arg2[%dma_wait3A_62, %dma_wait3A_63] : memref<10000x128xf32, #tpu.memory_space<hbm>> -> memref<10000x128xf32, #tpu.memory_space<hbm>>
        tpu.wait_indirect_dma semaphore(%arg12 : memref<!tpu.dma_semaphore, #tpu.memory_space<semaphore_mem>>) src(%dma_wait3A_64 : memref<10000x128xf32, #tpu.memory_space<hbm>>) dst(%arg9 : memref<128x128xf32, #tpu.memory_space<vmem>>)
        %add3A_65 = arith.constant 0 : i32
        %add3A_66 = arith.addi %mul3A_37, %add3A_65 : i32
        %dma_start3A_67 = arith.constant 0 : i32
        %dma_start3A_68 = tpu.memref_slice %arg8[%add3A_66, %dma_start3A_67] : memref<32x128xi32, #tpu.memory_space<vmem>> -> memref<1x128xi32, #tpu.memory_space<vmem>>
        %dma_start3A_69 = tpu.memref_squeeze %dma_start3A_68 : memref<1x128xi32, #tpu.memory_space<vmem>> -> memref<128xi32, #tpu.memory_space<vmem>>
        %dma_start3A_70 = arith.constant 0 : i32
        %dma_start3A_71 = arith.constant 0 : i32
        %dma_start3A_72 = tpu.memref_slice %arg11[%dma_start3A_70, %dma_start3A_71] : memref<10240x128xf32, #tpu.memory_space<vmem_shared>> -> memref<10240x128xf32, #tpu.memory_space<vmem_shared>>
        tpu.enqueue_indirect_dma source(%arg9 : memref<128x128xf32, #tpu.memory_space<vmem>>) target(%dma_start3A_72 : memref<10240x128xf32, #tpu.memory_space<vmem_shared>>) offsets(%dma_start3A_69 : memref<128xi32, #tpu.memory_space<vmem>>) semaphore(%arg14 : memref<!tpu.dma_semaphore, #tpu.memory_space<semaphore_mem>>) {add = true}
        %dma_wait3A_73 = arith.constant 0 : i32
        %dma_wait3A_74 = tpu.memref_slice %arg7[%add3A_52, %dma_wait3A_73] : memref<32x128xi32, #tpu.memory_space<vmem>> -> memref<1x128xi32, #tpu.memory_space<vmem>>
        %dma_wait3A_75 = tpu.memref_squeeze %dma_wait3A_74 : memref<1x128xi32, #tpu.memory_space<vmem>> -> memref<128xi32, #tpu.memory_space<vmem>>
        %dma_wait3A_76 = arith.constant 0 : i32
        %dma_wait3A_77 = arith.constant 0 : i32
        %dma_wait3A_78 = tpu.memref_slice %arg2[%dma_wait3A_76, %dma_wait3A_77] : memref<10000x128xf32, #tpu.memory_space<hbm>> -> memref<10000x128xf32, #tpu.memory_space<hbm>>
        tpu.wait_indirect_dma semaphore(%arg13 : memref<!tpu.dma_semaphore, #tpu.memory_space<semaphore_mem>>) src(%dma_wait3A_78 : memref<10000x128xf32, #tpu.memory_space<hbm>>) dst(%arg10 : memref<128x128xf32, #tpu.memory_space<vmem>>)
        %add3A_79 = arith.constant 1 : i32
        %add3A_80 = arith.addi %mul3A_37, %add3A_79 : i32
        %dma_start3A_81 = arith.constant 0 : i32
        %dma_start3A_82 = tpu.memref_slice %arg8[%add3A_80, %dma_start3A_81] : memref<32x128xi32, #tpu.memory_space<vmem>> -> memref<1x128xi32, #tpu.memory_space<vmem>>
        %dma_start3A_83 = tpu.memref_squeeze %dma_start3A_82 : memref<1x128xi32, #tpu.memory_space<vmem>> -> memref<128xi32, #tpu.memory_space<vmem>>
        %dma_start3A_84 = arith.constant 0 : i32
        %dma_start3A_85 = arith.constant 0 : i32
        %dma_start3A_86 = tpu.memref_slice %arg11[%dma_start3A_84, %dma_start3A_85] : memref<10240x128xf32, #tpu.memory_space<vmem_shared>> -> memref<10240x128xf32, #tpu.memory_space<vmem_shared>>
        tpu.enqueue_indirect_dma source(%arg10 : memref<128x128xf32, #tpu.memory_space<vmem>>) target(%dma_start3A_86 : memref<10240x128xf32, #tpu.memory_space<vmem_shared>>) offsets(%dma_start3A_83 : memref<128xi32, #tpu.memory_space<vmem>>) semaphore(%arg15 : memref<!tpu.dma_semaphore, #tpu.memory_space<semaphore_mem>>) {add = true}
      }
      %scan3A_23 = arith.constant 16 : i32
      %dma_wait3A = arith.constant 0 : i32
      %dma_wait3A_24 = arith.constant 0 : i32
      %dma_wait3A_25 = tpu.memref_slice %arg2[%dma_wait3A, %dma_wait3A_24] : memref<10000x128xf32, #tpu.memory_space<hbm>> -> memref<128x128xf32, #tpu.memory_space<hbm>>
      %dma_wait3A_26 = arith.constant 0 : i32
      %dma_wait3A_27 = arith.constant 0 : i32
      %dma_wait3A_28 = tpu.memref_slice %arg2[%dma_wait3A_26, %dma_wait3A_27] : memref<10000x128xf32, #tpu.memory_space<hbm>> -> memref<128x128xf32, #tpu.memory_space<hbm>>
      tpu.wait_dma2 semaphore(%arg14 : memref<!tpu.dma_semaphore, #tpu.memory_space<semaphore_mem>>) src(%dma_wait3A_28 : memref<128x128xf32, #tpu.memory_space<hbm>>) dst(%arg9 : memref<128x128xf32, #tpu.memory_space<vmem>>)
      %dma_wait3A_29 = arith.constant 0 : i32
      %dma_wait3A_30 = arith.constant 0 : i32
      %dma_wait3A_31 = tpu.memref_slice %arg2[%dma_wait3A_29, %dma_wait3A_30] : memref<10000x128xf32, #tpu.memory_space<hbm>> -> memref<128x128xf32, #tpu.memory_space<hbm>>
      %dma_wait3A_32 = arith.constant 0 : i32
      %dma_wait3A_33 = arith.constant 0 : i32
      %dma_wait3A_34 = tpu.memref_slice %arg2[%dma_wait3A_32, %dma_wait3A_33] : memref<10000x128xf32, #tpu.memory_space<hbm>> -> memref<128x128xf32, #tpu.memory_space<hbm>>
      tpu.wait_dma2 semaphore(%arg15 : memref<!tpu.dma_semaphore, #tpu.memory_space<semaphore_mem>>) src(%dma_wait3A_34 : memref<128x128xf32, #tpu.memory_space<hbm>>) dst(%arg10 : memref<128x128xf32, #tpu.memory_space<vmem>>)
    }
    %scan3A_7 = arith.constant 5 : i32
    %barrier3A_8 = arith.constant 0 : index
    tpu.barrier barrier_id(%barrier3A_8)
    %mul3A_9 = arith.constant 640 : i32
    %mul3A_10 = arith.muli %arg1, %mul3A_9 : i32
    %mul3A_11 = arith.constant 640 : i32
    %mul3A_12 = arith.muli %arg1, %mul3A_11 : i32
    "tpu.region"() ({
      %run_scoped3A = tpu.sem_alloc : memref<!tpu.dma_semaphore, #tpu.memory_space<semaphore_mem>>
      %dma_start3A = arith.constant 0 : i32
      %dma_start3A_13 = tpu.memref_slice %arg6[%mul3A_12, %dma_start3A] : memref<10240x128xf32, #tpu.memory_space<hbm>> -> memref<640x128xf32, #tpu.memory_space<hbm>>
      %dma_start3A_14 = arith.constant 0 : i32
      %dma_start3A_15 = tpu.memref_slice %arg11[%mul3A_10, %dma_start3A_14] : memref<10240x128xf32, #tpu.memory_space<vmem_shared>> -> memref<640x128xf32, #tpu.memory_space<vmem_shared>>
      tpu.enqueue_dma source(%dma_start3A_15 : memref<640x128xf32, #tpu.memory_space<vmem_shared>>) target(%dma_start3A_13 : memref<640x128xf32, #tpu.memory_space<hbm>>) target_semaphore(%run_scoped3A : memref<!tpu.dma_semaphore, #tpu.memory_space<semaphore_mem>>)
      %dma_wait3A = arith.constant 0 : i32
      %dma_wait3A_16 = tpu.memref_slice %arg6[%mul3A_12, %dma_wait3A] : memref<10240x128xf32, #tpu.memory_space<hbm>> -> memref<640x128xf32, #tpu.memory_space<hbm>>
      %dma_wait3A_17 = arith.constant 0 : i32
      %dma_wait3A_18 = tpu.memref_slice %arg11[%mul3A_10, %dma_wait3A_17] : memref<10240x128xf32, #tpu.memory_space<vmem_shared>> -> memref<640x128xf32, #tpu.memory_space<vmem_shared>>
      tpu.wait_dma2 semaphore(%run_scoped3A : memref<!tpu.dma_semaphore, #tpu.memory_space<semaphore_mem>>) src(%dma_wait3A_18 : memref<640x128xf32, #tpu.memory_space<vmem_shared>>) dst(%dma_wait3A_16 : memref<640x128xf32, #tpu.memory_space<hbm>>)
      tpu.yield
    }) : () -> ()
    return
  }
}

#map = affine_map<(d0, d1) -> (0, 0)>
#map1 = affine_map<(d0, d1) -> (0, 0, 0)>
module attributes {stable_mosaic.version = 14 : i64} {
  func.func @_agg_body(%arg0: i32, %arg1: i32, %arg2: memref<10000x128xf32, #tpu.memory_space<hbm>>, %arg3: memref<16x160x128xi32, #tpu.memory_space<hbm>>, %arg4: memref<16x160x128xi32, #tpu.memory_space<hbm>>, %arg5: memref<10240x128xf32, #tpu.memory_space<hbm>>, %arg6: memref<10240x128xf32, #tpu.memory_space<hbm>>, %arg7: memref<32x128xi32, #tpu.memory_space<vmem>>, %arg8: memref<32x128xi32, #tpu.memory_space<vmem>>, %arg9: memref<128x128xf32, #tpu.memory_space<vmem>>, %arg10: memref<128x128xf32, #tpu.memory_space<vmem>>, %arg11: memref<10240x128xf32, #tpu.memory_space<vmem_shared>>, %arg12: memref<!tpu.dma_semaphore, #tpu.memory_space<semaphore_mem>>, %arg13: memref<!tpu.dma_semaphore, #tpu.memory_space<semaphore_mem>>, %arg14: memref<!tpu.dma_semaphore, #tpu.memory_space<semaphore_mem>>, %arg15: memref<!tpu.dma_semaphore, #tpu.memory_space<semaphore_mem>>) attributes {dimension_semantics = [#tpu.dimension_semantics<core_parallel>, #tpu.dimension_semantics<subcore_parallel>], iteration_bounds = array<i64: 1, 16>, scalar_prefetch = 0 : i64, scratch_operands = 9 : i64, tpu.core_type = #tpu.core_type<sc_vector_subcore>, window_params = [{transform_indices = #map}, {transform_indices = #map1}, {transform_indices = #map1}, {transform_indices = #map}, {transform_indices = #map}]} {
    %mul3A = arith.constant 640 : i32
    %mul3A_0 = arith.muli %arg1, %mul3A : i32
    %mul3A_1 = arith.constant 640 : i32
    %mul3A_2 = arith.muli %arg1, %mul3A_1 : i32
    "tpu.region"() ({
      %run_scoped3A = tpu.sem_alloc : memref<!tpu.dma_semaphore, #tpu.memory_space<semaphore_mem>>
      %dma_start3A = arith.constant 0 : i32
      %dma_start3A_13 = tpu.memref_slice %arg11[%mul3A_2, %dma_start3A] : memref<10240x128xf32, #tpu.memory_space<vmem_shared>> -> memref<640x128xf32, #tpu.memory_space<vmem_shared>>
      %dma_start3A_14 = arith.constant 0 : i32
      %dma_start3A_15 = tpu.memref_slice %arg5[%mul3A_0, %dma_start3A_14] : memref<10240x128xf32, #tpu.memory_space<hbm>> -> memref<640x128xf32, #tpu.memory_space<hbm>>
      tpu.enqueue_dma source(%dma_start3A_15 : memref<640x128xf32, #tpu.memory_space<hbm>>) target(%dma_start3A_13 : memref<640x128xf32, #tpu.memory_space<vmem_shared>>) target_semaphore(%run_scoped3A : memref<!tpu.dma_semaphore, #tpu.memory_space<semaphore_mem>>)
      %dma_wait3A = arith.constant 0 : i32
      %dma_wait3A_16 = tpu.memref_slice %arg11[%mul3A_2, %dma_wait3A] : memref<10240x128xf32, #tpu.memory_space<vmem_shared>> -> memref<640x128xf32, #tpu.memory_space<vmem_shared>>
      %dma_wait3A_17 = arith.constant 0 : i32
      %dma_wait3A_18 = tpu.memref_slice %arg5[%mul3A_0, %dma_wait3A_17] : memref<10240x128xf32, #tpu.memory_space<hbm>> -> memref<640x128xf32, #tpu.memory_space<hbm>>
      tpu.wait_dma2 semaphore(%run_scoped3A : memref<!tpu.dma_semaphore, #tpu.memory_space<semaphore_mem>>) src(%dma_wait3A_18 : memref<640x128xf32, #tpu.memory_space<hbm>>) dst(%dma_wait3A_16 : memref<640x128xf32, #tpu.memory_space<vmem_shared>>)
      tpu.yield
    }) : () -> ()
    %barrier3A = arith.constant 0 : index
    tpu.barrier barrier_id(%barrier3A)
    %scan3A = arith.constant 0 : i32
    %scan3A_3 = arith.constant 0 : i32
    %scan3A_4 = arith.constant 5 : i32
    %scan3A_5 = arith.addi %scan3A_3, %scan3A_4 : i32
    %scan3A_6 = arith.constant 1 : i32
    scf.for %scan3A_13 = %scan3A_3 to %scan3A_5 step %scan3A_6  : i32 {
      %mul3A_14 = arith.constant 32 : i32
      %mul3A_15 = arith.muli %scan3A_13, %mul3A_14 : i32
      "tpu.region"() ({
        %run_scoped3A = tpu.sem_alloc : memref<!tpu.dma_semaphore, #tpu.memory_space<semaphore_mem>>
        %dma_start3A = arith.constant 0 : i32
        %dma_start3A_35 = tpu.memref_slice %arg3[%arg1, %mul3A_15, %dma_start3A] : memref<16x160x128xi32, #tpu.memory_space<hbm>> -> memref<1x32x128xi32, #tpu.memory_space<hbm>>
        %dma_start3A_36 = tpu.memref_squeeze %dma_start3A_35 : memref<1x32x128xi32, #tpu.memory_space<hbm>> -> memref<32x128xi32, #tpu.memory_space<hbm>>
        %dma_start3A_37 = arith.constant 0 : i32
        %dma_start3A_38 = tpu.memref_slice %arg3[%arg1, %mul3A_15, %dma_start3A_37] : memref<16x160x128xi32, #tpu.memory_space<hbm>> -> memref<1x32x128xi32, #tpu.memory_space<hbm>>
        %dma_start3A_39 = tpu.memref_squeeze %dma_start3A_38 : memref<1x32x128xi32, #tpu.memory_space<hbm>> -> memref<32x128xi32, #tpu.memory_space<hbm>>
        tpu.enqueue_dma source(%dma_start3A_39 : memref<32x128xi32, #tpu.memory_space<hbm>>) target(%arg7 : memref<32x128xi32, #tpu.memory_space<vmem>>) target_semaphore(%run_scoped3A : memref<!tpu.dma_semaphore, #tpu.memory_space<semaphore_mem>>)
        %dma_wait3A_40 = arith.constant 0 : i32
        %dma_wait3A_41 = tpu.memref_slice %arg3[%arg1, %mul3A_15, %dma_wait3A_40] : memref<16x160x128xi32, #tpu.memory_space<hbm>> -> memref<1x32x128xi32, #tpu.memory_space<hbm>>
        %dma_wait3A_42 = tpu.memref_squeeze %dma_wait3A_41 : memref<1x32x128xi32, #tpu.memory_space<hbm>> -> memref<32x128xi32, #tpu.memory_space<hbm>>
        %dma_wait3A_43 = arith.constant 0 : i32
        %dma_wait3A_44 = tpu.memref_slice %arg3[%arg1, %mul3A_15, %dma_wait3A_43] : memref<16x160x128xi32, #tpu.memory_space<hbm>> -> memref<1x32x128xi32, #tpu.memory_space<hbm>>
        %dma_wait3A_45 = tpu.memref_squeeze %dma_wait3A_44 : memref<1x32x128xi32, #tpu.memory_space<hbm>> -> memref<32x128xi32, #tpu.memory_space<hbm>>
        tpu.wait_dma2 semaphore(%run_scoped3A : memref<!tpu.dma_semaphore, #tpu.memory_space<semaphore_mem>>) src(%dma_wait3A_45 : memref<32x128xi32, #tpu.memory_space<hbm>>) dst(%arg7 : memref<32x128xi32, #tpu.memory_space<vmem>>)
        tpu.yield
      }) : () -> ()
      %mul3A_16 = arith.constant 32 : i32
      %mul3A_17 = arith.muli %scan3A_13, %mul3A_16 : i32
      "tpu.region"() ({
        %run_scoped3A = tpu.sem_alloc : memref<!tpu.dma_semaphore, #tpu.memory_space<semaphore_mem>>
        %dma_start3A = arith.constant 0 : i32
        %dma_start3A_35 = tpu.memref_slice %arg4[%arg1, %mul3A_17, %dma_start3A] : memref<16x160x128xi32, #tpu.memory_space<hbm>> -> memref<1x32x128xi32, #tpu.memory_space<hbm>>
        %dma_start3A_36 = tpu.memref_squeeze %dma_start3A_35 : memref<1x32x128xi32, #tpu.memory_space<hbm>> -> memref<32x128xi32, #tpu.memory_space<hbm>>
        %dma_start3A_37 = arith.constant 0 : i32
        %dma_start3A_38 = tpu.memref_slice %arg4[%arg1, %mul3A_17, %dma_start3A_37] : memref<16x160x128xi32, #tpu.memory_space<hbm>> -> memref<1x32x128xi32, #tpu.memory_space<hbm>>
        %dma_start3A_39 = tpu.memref_squeeze %dma_start3A_38 : memref<1x32x128xi32, #tpu.memory_space<hbm>> -> memref<32x128xi32, #tpu.memory_space<hbm>>
        tpu.enqueue_dma source(%dma_start3A_39 : memref<32x128xi32, #tpu.memory_space<hbm>>) target(%arg8 : memref<32x128xi32, #tpu.memory_space<vmem>>) target_semaphore(%run_scoped3A : memref<!tpu.dma_semaphore, #tpu.memory_space<semaphore_mem>>)
        %dma_wait3A_40 = arith.constant 0 : i32
        %dma_wait3A_41 = tpu.memref_slice %arg4[%arg1, %mul3A_17, %dma_wait3A_40] : memref<16x160x128xi32, #tpu.memory_space<hbm>> -> memref<1x32x128xi32, #tpu.memory_space<hbm>>
        %dma_wait3A_42 = tpu.memref_squeeze %dma_wait3A_41 : memref<1x32x128xi32, #tpu.memory_space<hbm>> -> memref<32x128xi32, #tpu.memory_space<hbm>>
        %dma_wait3A_43 = arith.constant 0 : i32
        %dma_wait3A_44 = tpu.memref_slice %arg4[%arg1, %mul3A_17, %dma_wait3A_43] : memref<16x160x128xi32, #tpu.memory_space<hbm>> -> memref<1x32x128xi32, #tpu.memory_space<hbm>>
        %dma_wait3A_45 = tpu.memref_squeeze %dma_wait3A_44 : memref<1x32x128xi32, #tpu.memory_space<hbm>> -> memref<32x128xi32, #tpu.memory_space<hbm>>
        tpu.wait_dma2 semaphore(%run_scoped3A : memref<!tpu.dma_semaphore, #tpu.memory_space<semaphore_mem>>) src(%dma_wait3A_45 : memref<32x128xi32, #tpu.memory_space<hbm>>) dst(%arg8 : memref<32x128xi32, #tpu.memory_space<vmem>>)
        tpu.yield
      }) : () -> ()
      %scan3A_18 = arith.constant 0 : i32
      %scan3A_19 = arith.constant 0 : i32
      %scan3A_20 = arith.constant 16 : i32
      %scan3A_21 = arith.addi %scan3A_19, %scan3A_20 : i32
      %scan3A_22 = arith.constant 1 : i32
      scf.for %scan3A_35 = %scan3A_19 to %scan3A_21 step %scan3A_22  : i32 {
        %mul3A_36 = arith.constant 2 : i32
        %mul3A_37 = arith.muli %scan3A_35, %mul3A_36 : i32
        %gt3A = arith.constant 0 : i32
        %gt3A_38 = arith.cmpi sgt, %scan3A_35, %gt3A : i32
        %convert_element_type3A = arith.extui %gt3A_38 : i1 to i32
        %cond3A = arith.constant 0 : i32
        %cond3A_39 = arith.cmpi ne, %convert_element_type3A, %cond3A : i32
        scf.if %cond3A_39 {
          %dma_wait3A_87 = arith.constant 0 : i32
          %dma_wait3A_88 = arith.constant 0 : i32
          %dma_wait3A_89 = tpu.memref_slice %arg2[%dma_wait3A_87, %dma_wait3A_88] : memref<10000x128xf32, #tpu.memory_space<hbm>> -> memref<128x128xf32, #tpu.memory_space<hbm>>
          %dma_wait3A_90 = arith.constant 0 : i32
          %dma_wait3A_91 = arith.constant 0 : i32
          %dma_wait3A_92 = tpu.memref_slice %arg2[%dma_wait3A_90, %dma_wait3A_91] : memref<10000x128xf32, #tpu.memory_space<hbm>> -> memref<128x128xf32, #tpu.memory_space<hbm>>
          tpu.wait_dma2 semaphore(%arg14 : memref<!tpu.dma_semaphore, #tpu.memory_space<semaphore_mem>>) src(%dma_wait3A_92 : memref<128x128xf32, #tpu.memory_space<hbm>>) dst(%arg9 : memref<128x128xf32, #tpu.memory_space<vmem>>)
        } else {
        }
        %add3A = arith.constant 0 : i32
        %add3A_40 = arith.addi %mul3A_37, %add3A : i32
        %dma_start3A = arith.constant 0 : i32
        %dma_start3A_41 = tpu.memref_slice %arg7[%add3A_40, %dma_start3A] : memref<32x128xi32, #tpu.memory_space<vmem>> -> memref<1x128xi32, #tpu.memory_space<vmem>>
        %dma_start3A_42 = tpu.memref_squeeze %dma_start3A_41 : memref<1x128xi32, #tpu.memory_space<vmem>> -> memref<128xi32, #tpu.memory_space<vmem>>
        %dma_start3A_43 = arith.constant 0 : i32
        %dma_start3A_44 = arith.constant 0 : i32
        %dma_start3A_45 = tpu.memref_slice %arg2[%dma_start3A_43, %dma_start3A_44] : memref<10000x128xf32, #tpu.memory_space<hbm>> -> memref<10000x128xf32, #tpu.memory_space<hbm>>
        tpu.enqueue_indirect_dma source(%dma_start3A_45 : memref<10000x128xf32, #tpu.memory_space<hbm>>) target(%arg9 : memref<128x128xf32, #tpu.memory_space<vmem>>) offsets(%dma_start3A_42 : memref<128xi32, #tpu.memory_space<vmem>>) semaphore(%arg12 : memref<!tpu.dma_semaphore, #tpu.memory_space<semaphore_mem>>)
        %gt3A_46 = arith.constant 0 : i32
        %gt3A_47 = arith.cmpi sgt, %scan3A_35, %gt3A_46 : i32
        %convert_element_type3A_48 = arith.extui %gt3A_47 : i1 to i32
        %cond3A_49 = arith.constant 0 : i32
        %cond3A_50 = arith.cmpi ne, %convert_element_type3A_48, %cond3A_49 : i32
        scf.if %cond3A_50 {
          %dma_wait3A_87 = arith.constant 0 : i32
          %dma_wait3A_88 = arith.constant 0 : i32
          %dma_wait3A_89 = tpu.memref_slice %arg2[%dma_wait3A_87, %dma_wait3A_88] : memref<10000x128xf32, #tpu.memory_space<hbm>> -> memref<128x128xf32, #tpu.memory_space<hbm>>
          %dma_wait3A_90 = arith.constant 0 : i32
          %dma_wait3A_91 = arith.constant 0 : i32
          %dma_wait3A_92 = tpu.memref_slice %arg2[%dma_wait3A_90, %dma_wait3A_91] : memref<10000x128xf32, #tpu.memory_space<hbm>> -> memref<128x128xf32, #tpu.memory_space<hbm>>
          tpu.wait_dma2 semaphore(%arg15 : memref<!tpu.dma_semaphore, #tpu.memory_space<semaphore_mem>>) src(%dma_wait3A_92 : memref<128x128xf32, #tpu.memory_space<hbm>>) dst(%arg10 : memref<128x128xf32, #tpu.memory_space<vmem>>)
        } else {
        }
        %add3A_51 = arith.constant 1 : i32
        %add3A_52 = arith.addi %mul3A_37, %add3A_51 : i32
        %dma_start3A_53 = arith.constant 0 : i32
        %dma_start3A_54 = tpu.memref_slice %arg7[%add3A_52, %dma_start3A_53] : memref<32x128xi32, #tpu.memory_space<vmem>> -> memref<1x128xi32, #tpu.memory_space<vmem>>
        %dma_start3A_55 = tpu.memref_squeeze %dma_start3A_54 : memref<1x128xi32, #tpu.memory_space<vmem>> -> memref<128xi32, #tpu.memory_space<vmem>>
        %dma_start3A_56 = arith.constant 0 : i32
        %dma_start3A_57 = arith.constant 0 : i32
        %dma_start3A_58 = tpu.memref_slice %arg2[%dma_start3A_56, %dma_start3A_57] : memref<10000x128xf32, #tpu.memory_space<hbm>> -> memref<10000x128xf32, #tpu.memory_space<hbm>>
        tpu.enqueue_indirect_dma source(%dma_start3A_58 : memref<10000x128xf32, #tpu.memory_space<hbm>>) target(%arg10 : memref<128x128xf32, #tpu.memory_space<vmem>>) offsets(%dma_start3A_55 : memref<128xi32, #tpu.memory_space<vmem>>) semaphore(%arg13 : memref<!tpu.dma_semaphore, #tpu.memory_space<semaphore_mem>>)
        %dma_wait3A_59 = arith.constant 0 : i32
        %dma_wait3A_60 = tpu.memref_slice %arg7[%add3A_40, %dma_wait3A_59] : memref<32x128xi32, #tpu.memory_space<vmem>> -> memref<1x128xi32, #tpu.memory_space<vmem>>
        %dma_wait3A_61 = tpu.memref_squeeze %dma_wait3A_60 : memref<1x128xi32, #tpu.memory_space<vmem>> -> memref<128xi32, #tpu.memory_space<vmem>>
        %dma_wait3A_62 = arith.constant 0 : i32
        %dma_wait3A_63 = arith.constant 0 : i32
        %dma_wait3A_64 = tpu.memref_slice %arg2[%dma_wait3A_62, %dma_wait3A_63] : memref<10000x128xf32, #tpu.memory_space<hbm>> -> memref<10000x128xf32, #tpu.memory_space<hbm>>
        tpu.wait_indirect_dma semaphore(%arg12 : memref<!tpu.dma_semaphore, #tpu.memory_space<semaphore_mem>>) src(%dma_wait3A_64 : memref<10000x128xf32, #tpu.memory_space<hbm>>) dst(%arg9 : memref<128x128xf32, #tpu.memory_space<vmem>>)
        %add3A_65 = arith.constant 0 : i32
        %add3A_66 = arith.addi %mul3A_37, %add3A_65 : i32
        %dma_start3A_67 = arith.constant 0 : i32
        %dma_start3A_68 = tpu.memref_slice %arg8[%add3A_66, %dma_start3A_67] : memref<32x128xi32, #tpu.memory_space<vmem>> -> memref<1x128xi32, #tpu.memory_space<vmem>>
        %dma_start3A_69 = tpu.memref_squeeze %dma_start3A_68 : memref<1x128xi32, #tpu.memory_space<vmem>> -> memref<128xi32, #tpu.memory_space<vmem>>
        %dma_start3A_70 = arith.constant 0 : i32
        %dma_start3A_71 = arith.constant 0 : i32
        %dma_start3A_72 = tpu.memref_slice %arg11[%dma_start3A_70, %dma_start3A_71] : memref<10240x128xf32, #tpu.memory_space<vmem_shared>> -> memref<10240x128xf32, #tpu.memory_space<vmem_shared>>
        tpu.enqueue_indirect_dma source(%arg9 : memref<128x128xf32, #tpu.memory_space<vmem>>) target(%dma_start3A_72 : memref<10240x128xf32, #tpu.memory_space<vmem_shared>>) offsets(%dma_start3A_69 : memref<128xi32, #tpu.memory_space<vmem>>) semaphore(%arg14 : memref<!tpu.dma_semaphore, #tpu.memory_space<semaphore_mem>>) {add = true}
        %dma_wait3A_73 = arith.constant 0 : i32
        %dma_wait3A_74 = tpu.memref_slice %arg7[%add3A_52, %dma_wait3A_73] : memref<32x128xi32, #tpu.memory_space<vmem>> -> memref<1x128xi32, #tpu.memory_space<vmem>>
        %dma_wait3A_75 = tpu.memref_squeeze %dma_wait3A_74 : memref<1x128xi32, #tpu.memory_space<vmem>> -> memref<128xi32, #tpu.memory_space<vmem>>
        %dma_wait3A_76 = arith.constant 0 : i32
        %dma_wait3A_77 = arith.constant 0 : i32
        %dma_wait3A_78 = tpu.memref_slice %arg2[%dma_wait3A_76, %dma_wait3A_77] : memref<10000x128xf32, #tpu.memory_space<hbm>> -> memref<10000x128xf32, #tpu.memory_space<hbm>>
        tpu.wait_indirect_dma semaphore(%arg13 : memref<!tpu.dma_semaphore, #tpu.memory_space<semaphore_mem>>) src(%dma_wait3A_78 : memref<10000x128xf32, #tpu.memory_space<hbm>>) dst(%arg10 : memref<128x128xf32, #tpu.memory_space<vmem>>)
        %add3A_79 = arith.constant 1 : i32
        %add3A_80 = arith.addi %mul3A_37, %add3A_79 : i32
        %dma_start3A_81 = arith.constant 0 : i32
        %dma_start3A_82 = tpu.memref_slice %arg8[%add3A_80, %dma_start3A_81] : memref<32x128xi32, #tpu.memory_space<vmem>> -> memref<1x128xi32, #tpu.memory_space<vmem>>
        %dma_start3A_83 = tpu.memref_squeeze %dma_start3A_82 : memref<1x128xi32, #tpu.memory_space<vmem>> -> memref<128xi32, #tpu.memory_space<vmem>>
        %dma_start3A_84 = arith.constant 0 : i32
        %dma_start3A_85 = arith.constant 0 : i32
        %dma_start3A_86 = tpu.memref_slice %arg11[%dma_start3A_84, %dma_start3A_85] : memref<10240x128xf32, #tpu.memory_space<vmem_shared>> -> memref<10240x128xf32, #tpu.memory_space<vmem_shared>>
        tpu.enqueue_indirect_dma source(%arg10 : memref<128x128xf32, #tpu.memory_space<vmem>>) target(%dma_start3A_86 : memref<10240x128xf32, #tpu.memory_space<vmem_shared>>) offsets(%dma_start3A_83 : memref<128xi32, #tpu.memory_space<vmem>>) semaphore(%arg15 : memref<!tpu.dma_semaphore, #tpu.memory_space<semaphore_mem>>) {add = true}
      }
      %scan3A_23 = arith.constant 16 : i32
      %dma_wait3A = arith.constant 0 : i32
      %dma_wait3A_24 = arith.constant 0 : i32
      %dma_wait3A_25 = tpu.memref_slice %arg2[%dma_wait3A, %dma_wait3A_24] : memref<10000x128xf32, #tpu.memory_space<hbm>> -> memref<128x128xf32, #tpu.memory_space<hbm>>
      %dma_wait3A_26 = arith.constant 0 : i32
      %dma_wait3A_27 = arith.constant 0 : i32
      %dma_wait3A_28 = tpu.memref_slice %arg2[%dma_wait3A_26, %dma_wait3A_27] : memref<10000x128xf32, #tpu.memory_space<hbm>> -> memref<128x128xf32, #tpu.memory_space<hbm>>
      tpu.wait_dma2 semaphore(%arg14 : memref<!tpu.dma_semaphore, #tpu.memory_space<semaphore_mem>>) src(%dma_wait3A_28 : memref<128x128xf32, #tpu.memory_space<hbm>>) dst(%arg9 : memref<128x128xf32, #tpu.memory_space<vmem>>)
      %dma_wait3A_29 = arith.constant 0 : i32
      %dma_wait3A_30 = arith.constant 0 : i32
      %dma_wait3A_31 = tpu.memref_slice %arg2[%dma_wait3A_29, %dma_wait3A_30] : memref<10000x128xf32, #tpu.memory_space<hbm>> -> memref<128x128xf32, #tpu.memory_space<hbm>>
      %dma_wait3A_32 = arith.constant 0 : i32
      %dma_wait3A_33 = arith.constant 0 : i32
      %dma_wait3A_34 = tpu.memref_slice %arg2[%dma_wait3A_32, %dma_wait3A_33] : memref<10000x128xf32, #tpu.memory_space<hbm>> -> memref<128x128xf32, #tpu.memory_space<hbm>>
      tpu.wait_dma2 semaphore(%arg15 : memref<!tpu.dma_semaphore, #tpu.memory_space<semaphore_mem>>) src(%dma_wait3A_34 : memref<128x128xf32, #tpu.memory_space<hbm>>) dst(%arg10 : memref<128x128xf32, #tpu.memory_space<vmem>>)
    }
    %scan3A_7 = arith.constant 5 : i32
    %barrier3A_8 = arith.constant 0 : index
    tpu.barrier barrier_id(%barrier3A_8)
    %mul3A_9 = arith.constant 640 : i32
    %mul3A_10 = arith.muli %arg1, %mul3A_9 : i32
    %mul3A_11 = arith.constant 640 : i32
    %mul3A_12 = arith.muli %arg1, %mul3A_11 : i32
    "tpu.region"() ({
      %run_scoped3A = tpu.sem_alloc : memref<!tpu.dma_semaphore, #tpu.memory_space<semaphore_mem>>
      %dma_start3A = arith.constant 0 : i32
      %dma_start3A_13 = tpu.memref_slice %arg6[%mul3A_12, %dma_start3A] : memref<10240x128xf32, #tpu.memory_space<hbm>> -> memref<640x128xf32, #tpu.memory_space<hbm>>
      %dma_start3A_14 = arith.constant 0 : i32
      %dma_start3A_15 = tpu.memref_slice %arg11[%mul3A_10, %dma_start3A_14] : memref<10240x128xf32, #tpu.memory_space<vmem_shared>> -> memref<640x128xf32, #tpu.memory_space<vmem_shared>>
      tpu.enqueue_dma source(%dma_start3A_15 : memref<640x128xf32, #tpu.memory_space<vmem_shared>>) target(%dma_start3A_13 : memref<640x128xf32, #tpu.memory_space<hbm>>) target_semaphore(%run_scoped3A : memref<!tpu.dma_semaphore, #tpu.memory_space<semaphore_mem>>)
      %dma_wait3A = arith.constant 0 : i32
      %dma_wait3A_16 = tpu.memref_slice %arg6[%mul3A_12, %dma_wait3A] : memref<10240x128xf32, #tpu.memory_space<hbm>> -> memref<640x128xf32, #tpu.memory_space<hbm>>
      %dma_wait3A_17 = arith.constant 0 : i32
      %dma_wait3A_18 = tpu.memref_slice %arg11[%mul3A_10, %dma_wait3A_17] : memref<10240x128xf32, #tpu.memory_space<vmem_shared>> -> memref<640x128xf32, #tpu.memory_space<vmem_shared>>
      tpu.wait_dma2 semaphore(%run_scoped3A : memref<!tpu.dma_semaphore, #tpu.memory_space<semaphore_mem>>) src(%dma_wait3A_18 : memref<640x128xf32, #tpu.memory_space<vmem_shared>>) dst(%dma_wait3A_16 : memref<640x128xf32, #tpu.memory_space<hbm>>)
      tpu.yield
    }) : () -> ()
    return
  }
}

module attributes {stable_mosaic.version = 14 : i64} {
  func.func @_pro0_body(%arg0: i32, %arg1: memref<1000x128xf32, #tpu.memory_space<vmem>>, %arg2: memref<1000x1xf32, #tpu.memory_space<vmem>>, %arg3: memref<128x128xf32, #tpu.memory_space<vmem>>, %arg4: memref<1000x128xf32, #tpu.memory_space<vmem>>) attributes {dimension_semantics = [#tpu.dimension_semantics<arbitrary>], iteration_bounds = array<i64: 10>, scalar_prefetch = 0 : i64, scratch_operands = 0 : i64, tpu.core_type = #tpu.core_type<tc>, window_params = [{transform_indices = @transform_0, window_bounds = array<i64: 1000, 128>}, {transform_indices = @transform_1, window_bounds = array<i64: 1000, 1>}, {pipeline_mode = #tpu.pipeline_mode<synchronous>, transform_indices = @transform_2, window_bounds = array<i64: 128, 128>}, {transform_indices = @transform_3, window_bounds = array<i64: 1000, 128>}]} {
    %get3A = arith.constant 0 : index
    %get3A_0 = arith.constant 0 : index
    %get3A_1 = vector.load %arg1[%get3A, %get3A_0] : memref<1000x128xf32, #tpu.memory_space<vmem>>, vector<1000x128xf32>
    %get3A_2 = arith.constant 0 : index
    %get3A_3 = arith.constant 0 : index
    %get3A_4 = vector.load %arg2[%get3A_2, %get3A_3] : memref<1000x1xf32, #tpu.memory_space<vmem>>, vector<1000x1xf32>
    %mul3A = vector.broadcast %get3A_4 : vector<1000x1xf32> to vector<1000x128xf32>
    %mul3A_5 = arith.mulf %get3A_1, %mul3A : vector<1000x128xf32>
    %get3A_6 = arith.constant 0 : index
    %get3A_7 = arith.constant 0 : index
    %get3A_8 = vector.load %arg3[%get3A_6, %get3A_7] : memref<128x128xf32, #tpu.memory_space<vmem>>, vector<128x128xf32>
    %dot_general3A = arith.constant dense<0.000000e+00> : vector<1000x128xf32>
    %dot_general3A_9 = tpu.matmul %mul3A_5, %get3A_8, %dot_general3A {dimension_numbers = #tpu.dot_dimension_numbers<[1], [0], [0], [1], [0, 0, 1, 1], [], []>, transpose_lhs_hint = false} : vector<1000x128xf32>, vector<128x128xf32>, vector<1000x128xf32> -> vector<1000x128xf32>
    %swap3A = arith.constant 0 : index
    %swap3A_10 = arith.constant 0 : index
    %swap3A_11 = vector.load %arg4[%swap3A, %swap3A_10] : memref<1000x128xf32, #tpu.memory_space<vmem>>, vector<1000x128xf32>
    tpu.vector_store %arg4[%swap3A, %swap3A_10], %dot_general3A_9 {strides = array<i32>} : memref<1000x128xf32, #tpu.memory_space<vmem>>, vector<1000x128xf32>,
    return
  }
  func.func @transform_0(%arg0: i32) -> (i32, i32) {
    %c0_i32 = arith.constant 0 : i32
    %c0_i32_0 = arith.constant 0 : i32
    return %arg0, %c0_i32 : i32, i32
  }
  func.func @transform_1(%arg0: i32) -> (i32, i32) {
    %c0_i32 = arith.constant 0 : i32
    %c0_i32_0 = arith.constant 0 : i32
    return %arg0, %c0_i32 : i32, i32
  }
  func.func @transform_2(%arg0: i32) -> (i32, i32) {
    %c0_i32 = arith.constant 0 : i32
    %c0_i32_0 = arith.constant 0 : i32
    %c0_i32_1 = arith.constant 0 : i32
    return %c0_i32, %c0_i32_0 : i32, i32
  }
  func.func @transform_3(%arg0: i32) -> (i32, i32) {
    %c0_i32 = arith.constant 0 : i32
    %c0_i32_0 = arith.constant 0 : i32
    return %arg0, %c0_i32 : i32, i32
  }
}

module attributes {stable_mosaic.version = 14 : i64} {
  func.func @_mid_body(%arg0: i32, %arg1: memref<1000x128xf32, #tpu.memory_space<vmem>>, %arg2: memref<1000x1xf32, #tpu.memory_space<vmem>>, %arg3: memref<1x128xf32, #tpu.memory_space<vmem>>, %arg4: memref<1000x1xf32, #tpu.memory_space<vmem>>, %arg5: memref<128x128xf32, #tpu.memory_space<vmem>>, %arg6: memref<1000x128xf32, #tpu.memory_space<vmem>>) attributes {dimension_semantics = [#tpu.dimension_semantics<arbitrary>], iteration_bounds = array<i64: 10>, scalar_prefetch = 0 : i64, scratch_operands = 0 : i64, tpu.core_type = #tpu.core_type<tc>, window_params = [{transform_indices = @transform_0, window_bounds = array<i64: 1000, 128>}, {transform_indices = @transform_1, window_bounds = array<i64: 1000, 1>}, {pipeline_mode = #tpu.pipeline_mode<synchronous>, transform_indices = @transform_2, window_bounds = array<i64: 1, 128>}, {transform_indices = @transform_3, window_bounds = array<i64: 1000, 1>}, {pipeline_mode = #tpu.pipeline_mode<synchronous>, transform_indices = @transform_4, window_bounds = array<i64: 128, 128>}, {transform_indices = @transform_5, window_bounds = array<i64: 1000, 128>}]} {
    %get3A = arith.constant 0 : index
    %get3A_0 = arith.constant 0 : index
    %get3A_1 = vector.load %arg1[%get3A, %get3A_0] : memref<1000x128xf32, #tpu.memory_space<vmem>>, vector<1000x128xf32>
    %get3A_2 = arith.constant 0 : index
    %get3A_3 = arith.constant 0 : index
    %get3A_4 = vector.load %arg2[%get3A_2, %get3A_3] : memref<1000x1xf32, #tpu.memory_space<vmem>>, vector<1000x1xf32>
    %mul3A = vector.broadcast %get3A_4 : vector<1000x1xf32> to vector<1000x128xf32>
    %mul3A_5 = arith.mulf %get3A_1, %mul3A : vector<1000x128xf32>
    %get3A_6 = arith.constant 0 : index
    %get3A_7 = arith.constant 0 : index
    %get3A_8 = vector.load %arg3[%get3A_6, %get3A_7] : memref<1x128xf32, #tpu.memory_space<vmem>>, vector<1x128xf32>
    %add3A = vector.broadcast %get3A_8 : vector<1x128xf32> to vector<1000x128xf32>
    %add3A_9 = arith.addf %mul3A_5, %add3A : vector<1000x128xf32>
    %max3A = arith.constant 0.000000e+00 : f32
    %max3A_10 = vector.broadcast %max3A : f32 to vector<1000x128xf32>
    %max3A_11 = arith.maximumf %add3A_9, %max3A_10 : vector<1000x128xf32>
    %get3A_12 = arith.constant 0 : index
    %get3A_13 = arith.constant 0 : index
    %get3A_14 = vector.load %arg4[%get3A_12, %get3A_13] : memref<1000x1xf32, #tpu.memory_space<vmem>>, vector<1000x1xf32>
    %mul3A_15 = vector.broadcast %get3A_14 : vector<1000x1xf32> to vector<1000x128xf32>
    %mul3A_16 = arith.mulf %max3A_11, %mul3A_15 : vector<1000x128xf32>
    %get3A_17 = arith.constant 0 : index
    %get3A_18 = arith.constant 0 : index
    %get3A_19 = vector.load %arg5[%get3A_17, %get3A_18] : memref<128x128xf32, #tpu.memory_space<vmem>>, vector<128x128xf32>
    %dot_general3A = arith.constant dense<0.000000e+00> : vector<1000x128xf32>
    %dot_general3A_20 = tpu.matmul %mul3A_16, %get3A_19, %dot_general3A {dimension_numbers = #tpu.dot_dimension_numbers<[1], [0], [0], [1], [0, 0, 1, 1], [], []>, transpose_lhs_hint = false} : vector<1000x128xf32>, vector<128x128xf32>, vector<1000x128xf32> -> vector<1000x128xf32>
    %swap3A = arith.constant 0 : index
    %swap3A_21 = arith.constant 0 : index
    %swap3A_22 = vector.load %arg6[%swap3A, %swap3A_21] : memref<1000x128xf32, #tpu.memory_space<vmem>>, vector<1000x128xf32>
    tpu.vector_store %arg6[%swap3A, %swap3A_21], %dot_general3A_20 {strides = array<i32>} : memref<1000x128xf32, #tpu.memory_space<vmem>>, vector<1000x128xf32>,
    return
  }
  func.func @transform_0(%arg0: i32) -> (i32, i32) {
    %c0_i32 = arith.constant 0 : i32
    %c0_i32_0 = arith.constant 0 : i32
    return %arg0, %c0_i32 : i32, i32
  }
  func.func @transform_1(%arg0: i32) -> (i32, i32) {
    %c0_i32 = arith.constant 0 : i32
    %c0_i32_0 = arith.constant 0 : i32
    return %arg0, %c0_i32 : i32, i32
  }
  func.func @transform_2(%arg0: i32) -> (i32, i32) {
    %c0_i32 = arith.constant 0 : i32
    %c0_i32_0 = arith.constant 0 : i32
    %c0_i32_1 = arith.constant 0 : i32
    return %c0_i32, %c0_i32_0 : i32, i32
  }
  func.func @transform_3(%arg0: i32) -> (i32, i32) {
    %c0_i32 = arith.constant 0 : i32
    %c0_i32_0 = arith.constant 0 : i32
    return %arg0, %c0_i32 : i32, i32
  }
  func.func @transform_4(%arg0: i32) -> (i32, i32) {
    %c0_i32 = arith.constant 0 : i32
    %c0_i32_0 = arith.constant 0 : i32
    %c0_i32_1 = arith.constant 0 : i32
    return %c0_i32, %c0_i32_0 : i32, i32
  }
  func.func @transform_5(%arg0: i32) -> (i32, i32) {
    %c0_i32 = arith.constant 0 : i32
    %c0_i32_0 = arith.constant 0 : i32
    return %arg0, %c0_i32 : i32, i32
  }
}

module attributes {stable_mosaic.version = 14 : i64} {
  func.func @_epi_body(%arg0: i32, %arg1: memref<1000x128xf32, #tpu.memory_space<vmem>>, %arg2: memref<1000x1xf32, #tpu.memory_space<vmem>>, %arg3: memref<1x64xf32, #tpu.memory_space<vmem>>, %arg4: memref<1000x64xf32, #tpu.memory_space<vmem>>) attributes {dimension_semantics = [#tpu.dimension_semantics<arbitrary>], iteration_bounds = array<i64: 10>, scalar_prefetch = 0 : i64, scratch_operands = 0 : i64, tpu.core_type = #tpu.core_type<tc>, window_params = [{transform_indices = @transform_0, window_bounds = array<i64: 1000, 128>}, {transform_indices = @transform_1, window_bounds = array<i64: 1000, 1>}, {pipeline_mode = #tpu.pipeline_mode<synchronous>, transform_indices = @transform_2, window_bounds = array<i64: 1, 64>}, {transform_indices = @transform_3, window_bounds = array<i64: 1000, 64>}]} {
    %get3A = arith.constant 0 : index
    %get3A_0 = arith.constant 0 : index
    %get3A_1 = vector.load %arg1[%get3A, %get3A_0] : memref<1000x128xf32, #tpu.memory_space<vmem>>, vector<1000x128xf32>
    %slice3A = vector.extract_strided_slice %get3A_1 {offsets = [0, 0], sizes = [1000, 64], strides = [1, 1]} : vector<1000x128xf32> to vector<1000x64xf32>
    %get3A_2 = arith.constant 0 : index
    %get3A_3 = arith.constant 0 : index
    %get3A_4 = vector.load %arg2[%get3A_2, %get3A_3] : memref<1000x1xf32, #tpu.memory_space<vmem>>, vector<1000x1xf32>
    %mul3A = vector.broadcast %get3A_4 : vector<1000x1xf32> to vector<1000x64xf32>
    %mul3A_5 = arith.mulf %slice3A, %mul3A : vector<1000x64xf32>
    %get3A_6 = arith.constant 0 : index
    %get3A_7 = arith.constant 0 : index
    %get3A_8 = vector.load %arg3[%get3A_6, %get3A_7] : memref<1x64xf32, #tpu.memory_space<vmem>>, vector<1x64xf32>
    %add3A = vector.broadcast %get3A_8 : vector<1x64xf32> to vector<1000x64xf32>
    %add3A_9 = arith.addf %mul3A_5, %add3A : vector<1000x64xf32>
    %swap3A = arith.constant 0 : index
    %swap3A_10 = arith.constant 0 : index
    %swap3A_11 = vector.load %arg4[%swap3A, %swap3A_10] : memref<1000x64xf32, #tpu.memory_space<vmem>>, vector<1000x64xf32>
    tpu.vector_store %arg4[%swap3A, %swap3A_10], %add3A_9 {strides = array<i32>} : memref<1000x64xf32, #tpu.memory_space<vmem>>, vector<1000x64xf32>,
    return
  }
  func.func @transform_0(%arg0: i32) -> (i32, i32) {
    %c0_i32 = arith.constant 0 : i32
    %c0_i32_0 = arith.constant 0 : i32
    return %arg0, %c0_i32 : i32, i32
  }
  func.func @transform_1(%arg0: i32) -> (i32, i32) {
    %c0_i32 = arith.constant 0 : i32
    %c0_i32_0 = arith.constant 0 : i32
    return %arg0, %c0_i32 : i32, i32
  }
  func.func @transform_2(%arg0: i32) -> (i32, i32) {
    %c0_i32 = arith.constant 0 : i32
    %c0_i32_0 = arith.constant 0 : i32
    %c0_i32_1 = arith.constant 0 : i32
    return %c0_i32, %c0_i32_0 : i32, i32
  }
  func.func @transform_3(%arg0: i32) -> (i32, i32) {
    %c0_i32 = arith.constant 0 : i32
    %c0_i32_0 = arith.constant 0 : i32
    return %arg0, %c0_i32 : i32, i32
  }
}

</mosaic_0001>

<sc_bundles>
// kernel: kernel.10.cloned.1.call-start
scs
__scs_entry_jumppad:
0x0: {  	(pc) =	sbr.rel $0x88, $3  }
0x1: {  	(tag) =	ssettag $0x0;
	lr =	simm.s32 $0x1  }
0x2: {  	[smem:$0x3F99] =	sst lr;
	_ =	strace $0xD0000000  }
0x3: {  	_ = 	snop  }
0x4: {  	_ = 	snop  }
0x5: {  	_ = 	snop  }
0x6: {  	_ = 	snop  }
0x7: {  	_ = 	snop  }
__scs_overlays_trampoline_lowered:
0x8: {  	[smem:$0x3FA8] =	sst s0  }
0x9: {  	[smem:$0x3FA9] =	sst s1  }
0xa: {  	[smem:$0x3FAA] =	sst s2  }
0xb: {  	[smem:$0x3FAB] =	sst s3  }
0xc: {  	[smem:$0x3FAC] =	sst s4  }
0xd: {  	[smem:$0x3FAD] =	sst s5  }
0xe: {  	[smem:$0x3FAE] =	sst s6  }
0xf: {  	[smem:$0x3FAF] =	sst s7  }
0x10: {  	[smem:$0x3FB0] =	sst s8  }
0x11: {  	[smem:$0x3FB1] =	sst s9;
	s0 =	simm.s32 @!p0 $0x0  }
0x12: {  	s1 =	sld [smem:$0x3F97];
	s0 =	simm.s32 @p0 $0x1  }
0x13: {  	[smem:$0x3FB2] =	sst s0;
	s0 =	simm.s32 @!p1 $0x0  }
0x14: {  	s2 =	sld [smem:$0x3F96];
	s0 =	simm.s32 @p1 $0x1  }
0x15: {  	[smem:$0x3FB3] =	sst s0;
	s0 =	simm.s32 @!p2 $0x0  }
0x16: {  	s3 =	sld [smem:$0x3FDB];
	s0 =	simm.s32 @p2 $0x1  }
0x17: {  	s4 =	simm.s32 $0x1BF5;
	[smem:$0x3FB5] =	sst s0  }
0x18: {  	s0 =	sld [smem:$0x3F98];
	_ =	swait.ge [sflag:s4], $0x0  }
0x19: {  	s7 =	sld [smem:$0x3F99]  }
0x1a: {  	s8 =	sadd.s32 $0xFFFFE003, lr  }
0x1b: {  	s9 =	sadd.s32 $0xFFFFFEF7, lr;
	s5 =	simm.s32 $0xFFFFFFFF;
	p2 =	slt.u32 s8, $0xFFFFF086  }
0x1c: {  	p1 =	slt.u32 s9, $0xF7A;
	s5 =	simm.s32 @!p2 $0x0  }
0x1d: {  	s5 =	simm.s32 @p1 $0x1;
	p0 =	seq.s32 s7, s2  }
0x1e: {  	s7 =	smul.u32 @!p0 $0xF7A, s2;
	p2 =	seq.s32 @!p0 s5, $0x0  }
0x1f: {  	s9 =	smul.u32 $0xF7A, s1;
	s8 =	simm.s32 @!p0 $0x1BF5;
	p2 =	por !p2, p0  }
0x20: {  	[sflag:s8] =	ssyncset.s32 @!p0 $0xFFFFF086;
	s6 =	sadd.s32 @!p0 s3, s7;
	s7 =	simm.s32 @!p0 $0x108  }
0x21: {  	s3 =	sadd.s32 s3, s9;
	s6 =	sadd.s32 @!p0 $0x88, s6;
	s7 =	simm.s32 @p2 $0x1082  }
0x22: {  	[simem:s7], [sflag:s8] =	dma.local @!p0 [hbm:s6], $0xF7A  }
0x23: {  	s9 =	sor.u32 $0xD0000000, s2;
	s6 =	simm.s32 $0x108;
	_ =	swait.ge @!p0 [sflag:s8], $0x0  }
0x24: {  	s3 =	sadd.s32 $0x88, s3;
	s6 =	simm.s32 @!p1 $0x1082;
	[sflag:s4] =	ssyncset.s32 $0xFFFFF086  }
0x25: {  	[simem:s6], [sflag:s4] =	dma.local [hbm:s3], $0xF7A  }
0x26: {  	[smem:$0x3F99] =	sst s1;
	(tag) =	ssettag s2;
	_ =	strace s9  }
0x27: {  	s1 =	sld [smem:$0x3FA9]  }
0x28: {  	s2 =	sld [smem:$0x3FAA]  }
0x29: {  	s4 =	sld [smem:$0x3FAC]  }
0x2a: {  	p0 =	seq.s32 s5, $0x0;
	s5 =	sld [smem:$0x3FAD]  }
0x2b: {  	s6 =	sld [smem:$0x3FAE]  }
0x2c: {  	s7 =	sld [smem:$0x3FAF]  }
0x2d: {  	s3 =	simm.s32 $0x108;
	s8 =	sld [smem:$0x3FB0]  }
0x2e: {  	s3 =	simm.s32 @!p0 $0x1082;
	s9 =	sld [smem:$0x3FB1]  }
0x2f: {  	lr =	sadd.s32 s0, s3;
	s0 =	sld [smem:$0x3FA8]  }
0x30: {  	s3 =	sld [smem:$0x3FAB]  }
0x31: {  	[smem:$0x3FB4] =	sst s10  }
0x32: {  	s10 =	sld [smem:$0x3FB2];
	_ =	sdelay $0x3  }
0x33: {  	p0 =	seq.s32 s10, $0x1;
	s10 =	sld [smem:$0x3FB4];
	_ =	sdelay $0x3  }
0x34: {  	[smem:$0x3FB4] =	sst s10  }
0x35: {  	s10 =	sld [smem:$0x3FB3];
	_ =	sdelay $0x3  }
0x36: {  	p1 =	seq.s32 s10, $0x1;
	s10 =	sld [smem:$0x3FB4];
	_ =	sdelay $0x3  }
0x37: {  	[smem:$0x3FB4] =	sst s10  }
0x38: {  	s10 =	sld [smem:$0x3FB5]  }
0x39: {  	_ = 	snop;
	(pc) =	sbr.ind lr, $3  }
0x3a: {  	_ = 	snop  }
0x3b: {  	_ = 	snop  }
0x3c: {  	p2 =	seq.s32 s10, $0x1;
	s10 =	sld [smem:$0x3FB4]  }
0x3d: {  	_ =	shalt  }
0x3e: {  	_ =	shalt  }
0x3f: {  	_ =	shalt  }
0x40: {  	_ =	shalt  }
0x41: {  	_ =	shalt  }
0x42: {  	_ =	shalt  }
0x43: {  	_ =	shalt  }
0x44: {  	_ =	shalt  }
0x45: {  	_ =	shalt  }
0x46: {  	_ =	shalt  }
0x47: {  	_ =	shalt  }
0x48: {  	_ =	shalt  }
0x49: {  	_ =	shalt  }
0x4a: {  	_ =	shalt  }
0x4b: {  	_ =	shalt  }
0x4c: {  	_ =	shalt  }
0x4d: {  	_ =	shalt  }
0x4e: {  	_ =	shalt  }
0x4f: {  	_ =	shalt  }
0x50: {  	_ =	shalt  }
0x51: {  	_ =	shalt  }
0x52: {  	_ =	shalt  }
0x53: {  	_ =	shalt  }
0x54: {  	_ =	shalt  }
0x55: {  	_ =	shalt  }
0x56: {  	_ =	shalt  }
0x57: {  	_ =	shalt  }
0x58: {  	_ =	shalt  }
0x59: {  	_ =	shalt  }
0x5a: {  	_ =	shalt  }
0x5b: {  	_ =	shalt  }
0x5c: {  	_ =	shalt  }
0x5d: {  	_ =	shalt  }
0x5e: {  	_ =	shalt  }
0x5f: {  	_ =	shalt  }
0x60: {  	_ =	shalt  }
0x61: {  	_ =	shalt  }
0x62: {  	_ =	shalt  }
0x63: {  	_ =	shalt  }
0x64: {  	_ =	shalt  }
0x65: {  	_ =	shalt  }
0x66: {  	_ =	shalt  }
0x67: {  	_ =	shalt  }
0x68: {  	_ =	shalt  }
0x69: {  	_ =	shalt  }
0x6a: {  	_ =	shalt  }
0x6b: {  	_ =	shalt  }
0x6c: {  	_ =	shalt  }
0x6d: {  	_ =	shalt  }
0x6e: {  	_ =	shalt  }
0x6f: {  	_ =	shalt  }
0x70: {  	_ =	shalt  }
0x71: {  	_ =	shalt  }
0x72: {  	_ =	shalt  }
0x73: {  	_ =	shalt  }
0x74: {  	_ =	shalt  }
0x75: {  	_ =	shalt  }
0x76: {  	_ =	shalt  }
0x77: {  	_ =	shalt  }
0x78: {  	_ =	shalt  }
0x79: {  	_ =	shalt  }
0x7a: {  	_ =	shalt  }
0x7b: {  	_ =	shalt  }
0x7c: {  	_ =	shalt  }
0x7d: {  	_ =	shalt  }
0x7e: {  	_ =	shalt  }
0x7f: {  	_ =	shalt  }
0x80: {  	_ =	shalt  }
0x81: {  	_ =	shalt  }
0x82: {  	_ =	shalt  }
0x83: {  	_ =	shalt  }
0x84: {  	_ =	shalt  }
0x85: {  	_ =	shalt  }
0x86: {  	_ =	shalt  }
0x87: {  	_ =	shalt  }
.Lfunc_end0:
.L_simem_size_0:
called_computation_lowered:
.L_overlay_start_0:
0x88: {  	s2 =	sld [smem:$0x3FD9]  }
0x89: {  	s3 =	sld [smem:$0x3FFE];
	_ =	sdelay $0x1  }
0x8a: {  	s1 =	srdreg.scid  }
0x8b: {  	s0 =	sand.u32 $0x1, s1  }
0x8c: {  	s16 =	sshll.u32 s0, $0xA;
	s2 =	sadd.s32 s3, s2  }
0x8d: {  	s2 =	sadd.s32 s2, s16  }
0x8e: {  	[smem:$0x3FC0] =	sst s2  }
0x8f: {  	_ = 	snop  }
0x90: {  	(tm) =	ssettm $0x1  }
0x91: {  	s17 =	sld [smem:$0x3FFB];
	_ =	sdelay $0x3  }
0x92: {  	_ =	strace s17  }
0x93: {  	s2 =	sld [smem:$0x3FFC];
	_ =	sdelay $0x3  }
0x94: {  	_ =	strace s2  }
0x95: {  	s2 =	sld [smem:$0x3FFD];
	_ =	sdelay $0x3  }
0x96: {  	_ =	strace s2  }
0x97: {  	_ =	strace $0x8FFFFFFF  }
0x98: {  	s18 =	sld [smem:$0x3FDB];
	_ =	sdelay $0x1  }
0x99: {  	s19 =	simm.s32 $_scs_section_size  }
0x9a: {  	s4 =	simm.s32 $_size__tile_overlayer_lowered;
	s5 =	simm.s32 $_tile_overlayer_lowered  }
0x9b: {  	s22 =	simm.s32 $0x1BFF;
	s21 =	sshll.u32 s5, $0x1;
	s2 =	sadd.s32 s19, s18  }
0x9c: {  	s6 =	simm.s32 $0x0;
	s20 =	sshll.u32 s4, $0x1;
	s4 =	sadd.s32 s21, s2  }
0x9d: {  	[timem:s6], [sflag:s22] =	dma.local [hbm:s4], s20  }
0x9e: {  	_ =	swait.ge [sflag:s22], s20  }
0x9f: {  	s3 =	ssub.s32 $0x0, s20;
	[sflag:s22] =	ssyncset.done $0x0  }
0xa0: {  	[sflag:s22] =	ssyncadd.s32 s3;
	_ =	sdelay $0x1  }
0xa1: {  	s23 =	simm.s32 $0x1B8B  }
0xa2: {  	_ =	swait.ge [sflag:s23], $0x1  }
0xa3: {  	[sflag:s23] =	ssyncset.done $0x0  }
0xa4: {  	s25 =	simm.s32 $0x1B8E;
	s24 =	sld [smem:$0x3FFE];
	[sflag:s23] =	ssyncadd.s32 $0xFFFFFFFF  }
0xa5: {  	s26 =	simm.s32 $execute0_lowered;
	[smem:$0x3FD2] =	sst s25  }
0xa6: {  	s4 =	sshll.u32 s26, $0x1;
	_ =	strace $0x80000046;
	[dreg:$0x1] =	wrdreg $0xFFFFFFFF  }
0xa7: {  	s28 =	simm.s32 $_size_execute0_lowered;
	s2 =	sadd.s32 s2, s4;
	[dreg:$0x0] =	wrdreg $0x0  }
0xa8: {  	s4 =	sshll.u32 s28, $0x1;
	[dreg:$0x2] =	wrdreg s2  }
0xa9: {  	[dreg:$0x3] =	wrdreg s4  }
0xaa: {  	[dreg:$0x4] =	wrdreg $0xC0  }
0xab: {  	_ =	task [dreg:s6], $0x5FFFF  }
0xac: {  	[dreg:$0x1] =	wrdreg $0xFFFFFFFF  }
0xad: {  	[dreg:$0x0] =	wrdreg $0x60  }
0xae: {  	[dreg:$0x2] =	wrdreg s24  }
0xaf: {  	[dreg:$0x3] =	wrdreg $0x53000  }
0xb0: {  	[dreg:$0x4] =	wrdreg $0x9  }
0xb1: {  	_ =	task.clear_ibuf [dreg:s6], $0x5FFFF;
	_ =	strace $0x90000046  }
0xb2: {  	s29 =	simm.s32 $0x9;
	_ =	strace $0x80000048  }
0xb3: {  	_ =	swait.ge [sflag:s29], $0x1  }
0xb4: {  	[sflag:s29] =	ssyncadd.s32 $0xFFFFFFFF  }
0xb5: {  	_ =	strace $0x90000048  }
0xb6: {  	_ =	sfence  }
0xb7: {  	s30 =	sld [smem:$0x0];
	_ =	sdelay $0x2  }
0xb8: {  	s31 =	sshll.u32 s1, $0xD;
	s1 =	sshrl.u32 s1, $0x2  }
0xb9: {  	s3 =	sand.u32 $0x4000, s31;
	s1 =	sadd.s32 s1, s30  }
0xba: {  	s0 =	sor.u32 s3, s0;
	s1 =	sshll.u32 s1, $0x11  }
0xbb: {  	s0 =	sor.u32 s1, s0  }
0xbc: {  	s0 =	sadd.s32 $0x8F2B, s0  }
0xbd: {  	[sflag:s0] =	ssyncadd.remote.s32 $0x1  }
0xbe: {  	_ =	sfence.sel $0xFFFF  }
0xbf: {  	[dreg:$0x0] =	wrdreg $0xFFFFFFFF;
	(pc) =	sbr.abs _section_cstart, $3  }
0xc0: {  	[dreg:$0x1] =	wrdreg $0xFFFFFFFF  }
0xc1: {  	_ =	task.clear_ibuf [dreg:s6], $0x2FFFF;
	_ =	strace $0x9FFFFFFF  }
0xc2: {  	(tm) =	ssettm $0x7FFFFFFF  }
0xc3: {  	_ =	shalt  }
tec
execute0_lowered:
.L_overlay_start_1:
0x0: {  	(tag) =	ssettag $0x1  }
0x1: {  	s4 =	rddreg [dreg:$0x0];
	s0 =	srdreg.scid  }
0x2: {  	s2 =	rddreg [dreg:$0x1];
	s1 =	stileid.u32  }
0x3: {  	s3 =	simm.s32 $0x0;
	s12 =	simm.s32 $0x80;
	s13 =	simm.s32 $0x5000  }
0x4: {  	s14 =	simm.s32 $0x1;
	s15 =	simm.s32 $0x5080;
	s7 =	smul.u32 $0x5000, s1  }
0x5: {  	s16 =	simm.s32 $0x100;
	s17 =	simm.s32 $0x0;
	s29 =	smul.u32 $0x500, s1  }
0x6: {  	s5 =	sand.u32 $0x1, s0;
	s0 =	rddreg [dreg:$0x2];
	s8 =	smul.u32 $0x280, s1  }
0x7: {  	[smem:$0x7FF] =	sst s3;
	s31 =	sshll.u32 s1, $0x6;
	s6 =	smul.u32 $0x50000, s5  }
0x8: {  	_ =	strace $0x80000047;
	s9 =	sshll.u32 s5, $0x7;
	s5 =	ssub.s32 $0x2, s5  }
0x9: {  	s30 =	sshrl.u32 s8, $0x3;
	s10 =	sshrl.u32 s5, $0x1;
	s6 =	sadd.s32 s7, s6  }
0xa: {  	s7 =	sor.u32 s9, s29;
	s9 =	sadd.s32 s30, s4;
	s10 =	ssub.s32 s5, s10  }
0xb: {  	s5 =	sadd.s32 s8, s2;
	s6 =	sshrl.u32 s6, $0x3;
	s7 =	sshrl.u32 s7, $0x3  }
0xc: {  	s8 =	smax.u32 s10, $0x1;
	s10 =	sor.u32 $0x1C02, s31;
	s6 =	sadd.s32 s6, s4  }
0xd: {  	s11 =	sshrl.u32 s5, $0x3;
	s7 =	sadd.s32 s7, s4;
	s4 =	sadd.s32 $0x2A00, s6  }
0xe: {  	v0 =	vimm.f32 $1.000000000e+00;
	s6 =	sadd.s32 $0x16A00, s9;
	s7 =	sadd.s32 $0x17000, s7;
	s9 =	simm.s32 $0x2  }
.LBB2_1:
0xf: {  	[tilespmem:s3], [sflag:$0x2] =	stream.linear.gather [hbm4b:s4+s3], $0x5000, $0x38;
	[tilespmem:$0x5580] =	vst v63  }
0x10: {  	_ =	swait.ge [sflag:s9], $0x5000  }
0x11: {  	[sflag:s9] =	ssyncset.done $0x0  }
0x12: {  	[sflag:s9] =	ssyncadd.s32 $0xFFFFB000  }
0x13: {  	[tilespmem:$0x5000] =	vst v0  }
0x14: {  	[tilespmem:$0x5010] =	vst v0  }
0x15: {  	[tilespmem:$0x5020] =	vst v0  }
0x16: {  	[tilespmem:$0x5030] =	vst v0  }
0x17: {  	[tilespmem:$0x5040] =	vst v0  }
0x18: {  	[tilespmem:$0x5050] =	vst v0  }
0x19: {  	[tilespmem:$0x5060] =	vst v0  }
0x1a: {  	[tilespmem:$0x5070] =	vst v0  }
0x1b: {  	[spmem:s11], [sflag:s10] =	dma.local [hbm:s6], $0x50  }
0x1c: {  	_ =	swait.ge [sflag:s9], $0x50  }
0x1d: {  	[sflag:s9] =	ssyncset.done $0x0  }
0x1e: {  	[sflag:s9] =	ssyncadd.s32 $0xFFFFFFB0  }
0x1f: {  	s18 =	simm.s32 $0x0;
	[bflag:$0x0] =	sbarrier.arrive $0xFFFF  }
0x20: {  	[spmem:s2] =	stream.indirect.scatter.add.f32 [tilespmem:s13], [sflag:$0x1], $0x1, s18, s12, $0xb8;
	[tilespmem:$0x5580] =	vst v63  }
0x21: {  	s22 =	simm.s32 $0x80  }
0x22: {  	[spmem:s2] =	stream.indirect.scatter.add.f32 [tilespmem:s13], [sflag:$0x1], $0x1, s22, s12, $0xb8;
	[tilespmem:$0x5580] =	vst v63  }
0x23: {  	s23 =	simm.s32 $0x100  }
0x24: {  	[spmem:s2] =	stream.indirect.scatter.add.f32 [tilespmem:s13], [sflag:$0x1], $0x1, s23, s12, $0xb8;
	[tilespmem:$0x5580] =	vst v63  }
0x25: {  	s24 =	simm.s32 $0x180  }
0x26: {  	[spmem:s2] =	stream.indirect.scatter.add.f32 [tilespmem:s13], [sflag:$0x1], $0x1, s24, s12, $0xb8;
	[tilespmem:$0x5580] =	vst v63  }
0x27: {  	s25 =	simm.s32 $0x200  }
0x28: {  	[spmem:s2] =	stream.indirect.scatter.add.f32 [tilespmem:s13], [sflag:$0x1], $0x1, s25, s12, $0xb8;
	[tilespmem:$0x5580] =	vst v63  }
0x29: {  	s26 =	simm.s32 $0x280  }
0x2a: {  	[spmem:s2] =	stream.indirect.scatter.add.f32 [tilespmem:s13], [sflag:$0x1], $0x1, s26, s12, $0xb8;
	[tilespmem:$0x5580] =	vst v63  }
0x2b: {  	s28 =	simm.s32 $0x300  }
0x2c: {  	[spmem:s2] =	stream.indirect.scatter.add.f32 [tilespmem:s13], [sflag:$0x1], $0x1, s28, s12, $0xb8;
	[tilespmem:$0x5580] =	vst v63  }
0x2d: {  	s29 =	simm.s32 $0x380  }
0x2e: {  	[spmem:s2] =	stream.indirect.scatter.add.f32 [tilespmem:s13], [sflag:$0x1], $0x1, s29, s12, $0xb8;
	[tilespmem:$0x5580] =	vst v63  }
0x2f: {  	s30 =	simm.s32 $0x400  }
0x30: {  	[spmem:s2] =	stream.indirect.scatter.add.f32 [tilespmem:s13], [sflag:$0x1], $0x1, s30, s12, $0xb8;
	[tilespmem:$0x5580] =	vst v63  }
0x31: {  	s31 =	simm.s32 $0x480  }
0x32: {  	[spmem:s2] =	stream.indirect.scatter.add.f32 [tilespmem:s13], [sflag:$0x1], $0x1, s31, s12, $0xb8;
	[tilespmem:$0x5580] =	vst v63  }
0x33: {  	_ =	swait.ge [sflag:s14], $0x80  }
0x34: {  	[sflag:s14] =	ssyncset.done $0x0  }
0x35: {  	[sflag:s14] =	ssyncadd.s32 $0xFFFFFF80  }
0x36: {  	_ =	swait.ge [sflag:s14], $0x80  }
0x37: {  	[sflag:s14] =	ssyncset.done $0x0  }
0x38: {  	[sflag:s14] =	ssyncadd.s32 $0xFFFFFF80  }
0x39: {  	_ =	swait.ge [sflag:s14], $0x80  }
0x3a: {  	[sflag:s14] =	ssyncset.done $0x0  }
0x3b: {  	[sflag:s14] =	ssyncadd.s32 $0xFFFFFF80  }
0x3c: {  	_ =	swait.ge [sflag:s14], $0x80  }
0x3d: {  	[sflag:s14] =	ssyncset.done $0x0  }
0x3e: {  	[sflag:s14] =	ssyncadd.s32 $0xFFFFFF80  }
0x3f: {  	_ =	swait.ge [sflag:s14], $0x80  }
0x40: {  	[sflag:s14] =	ssyncset.done $0x0  }
0x41: {  	[sflag:s14] =	ssyncadd.s32 $0xFFFFFF80  }
0x42: {  	_ =	swait.ge [sflag:s14], $0x80  }
0x43: {  	[sflag:s14] =	ssyncset.done $0x0  }
0x44: {  	[sflag:s14] =	ssyncadd.s32 $0xFFFFFF80  }
0x45: {  	_ =	swait.ge [sflag:s14], $0x80  }
0x46: {  	[sflag:s14] =	ssyncset.done $0x0  }
0x47: {  	[sflag:s14] =	ssyncadd.s32 $0xFFFFFF80  }
0x48: {  	_ =	swait.ge [sflag:s14], $0x80  }
0x49: {  	[sflag:s14] =	ssyncset.done $0x0  }
0x4a: {  	[sflag:s14] =	ssyncadd.s32 $0xFFFFFF80  }
0x4b: {  	_ =	swait.ge [sflag:s14], $0x80  }
0x4c: {  	[sflag:s14] =	ssyncset.done $0x0  }
0x4d: {  	[sflag:s14] =	ssyncadd.s32 $0xFFFFFF80  }
0x4e: {  	_ =	swait.ge [sflag:s14], $0x80  }
0x4f: {  	s20 =	simm.s32 $0x2800;
	s18 =	simm.s32 $0x1400;
	[sflag:s14] =	ssyncset.done $0x0  }
.LBB2_2:
0x50: {  	s21 =	sshra.s32 s18, $0x2  }
0x51: {  	[sflag:s14] =	ssyncadd.s32 $0xFFFFFF80;
	s18 =	smov.u32 s20;
	s19 =	sadd.s32 $0x1400, s20  }
0x52: {  	[spmem:s2] =	stream.indirect.scatter.add.f32 [tilespmem:s13], [sflag:$0x1], $0x1, s21, s12, $0xb8;
	[tilespmem:$0x5580] =	vst v63  }
0x53: {  	p0 =	sne.s32 s20, $0x12C00;
	s20 =	sadd.s32 $0x80, s21  }
0x54: {  	[spmem:s2] =	stream.indirect.scatter.add.f32 [tilespmem:s13], [sflag:$0x1], $0x1, s20, s12, $0xb8;
	[tilespmem:$0x5580] =	vst v63  }
0x55: {  	s20 =	sadd.s32 $0x100, s21  }
0x56: {  	[spmem:s2] =	stream.indirect.scatter.add.f32 [tilespmem:s13], [sflag:$0x1], $0x1, s20, s12, $0xb8;
	[tilespmem:$0x5580] =	vst v63  }
0x57: {  	s20 =	sadd.s32 $0x180, s21  }
0x58: {  	[spmem:s2] =	stream.indirect.scatter.add.f32 [tilespmem:s13], [sflag:$0x1], $0x1, s20, s12, $0xb8;
	[tilespmem:$0x5580] =	vst v63  }
0x59: {  	s20 =	sadd.s32 $0x200, s21  }
0x5a: {  	[spmem:s2] =	stream.indirect.scatter.add.f32 [tilespmem:s13], [sflag:$0x1], $0x1, s20, s12, $0xb8;
	[tilespmem:$0x5580] =	vst v63  }
0x5b: {  	s20 =	sadd.s32 $0x280, s21  }
0x5c: {  	[spmem:s2] =	stream.indirect.scatter.add.f32 [tilespmem:s13], [sflag:$0x1], $0x1, s20, s12, $0xb8;
	[tilespmem:$0x5580] =	vst v63  }
0x5d: {  	s20 =	sadd.s32 $0x300, s21  }
0x5e: {  	[spmem:s2] =	stream.indirect.scatter.add.f32 [tilespmem:s13], [sflag:$0x1], $0x1, s20, s12, $0xb8;
	[tilespmem:$0x5580] =	vst v63  }
0x5f: {  	s20 =	sadd.s32 $0x380, s21  }
0x60: {  	[spmem:s2] =	stream.indirect.scatter.add.f32 [tilespmem:s13], [sflag:$0x1], $0x1, s20, s12, $0xb8;
	[tilespmem:$0x5580] =	vst v63  }
0x61: {  	s20 =	sadd.s32 $0x400, s21  }
0x62: {  	[spmem:s2] =	stream.indirect.scatter.add.f32 [tilespmem:s13], [sflag:$0x1], $0x1, s20, s12, $0xb8;
	[tilespmem:$0x5580] =	vst v63  }
0x63: {  	s20 =	sadd.s32 $0x480, s21  }
0x64: {  	[spmem:s2] =	stream.indirect.scatter.add.f32 [tilespmem:s13], [sflag:$0x1], $0x1, s20, s12, $0xb8;
	[tilespmem:$0x5580] =	vst v63  }
0x65: {  	_ =	swait.ge [sflag:s14], $0x80  }
0x66: {  	[sflag:s14] =	ssyncset.done $0x0  }
0x67: {  	[sflag:s14] =	ssyncadd.s32 $0xFFFFFF80  }
0x68: {  	_ =	swait.ge [sflag:s14], $0x80  }
0x69: {  	[sflag:s14] =	ssyncset.done $0x0  }
0x6a: {  	[sflag:s14] =	ssyncadd.s32 $0xFFFFFF80  }
0x6b: {  	_ =	swait.ge [sflag:s14], $0x80  }
0x6c: {  	[sflag:s14] =	ssyncset.done $0x0  }
0x6d: {  	[sflag:s14] =	ssyncadd.s32 $0xFFFFFF80  }
0x6e: {  	_ =	swait.ge [sflag:s14], $0x80  }
0x6f: {  	[sflag:s14] =	ssyncset.done $0x0  }
0x70: {  	[sflag:s14] =	ssyncadd.s32 $0xFFFFFF80  }
0x71: {  	_ =	swait.ge [sflag:s14], $0x80  }
0x72: {  	[sflag:s14] =	ssyncset.done $0x0  }
0x73: {  	[sflag:s14] =	ssyncadd.s32 $0xFFFFFF80  }
0x74: {  	_ =	swait.ge [sflag:s14], $0x80  }
0x75: {  	[sflag:s14] =	ssyncset.done $0x0  }
0x76: {  	[sflag:s14] =	ssyncadd.s32 $0xFFFFFF80  }
0x77: {  	_ =	swait.ge [sflag:s14], $0x80  }
0x78: {  	[sflag:s14] =	ssyncset.done $0x0  }
0x79: {  	[sflag:s14] =	ssyncadd.s32 $0xFFFFFF80  }
0x7a: {  	_ =	swait.ge [sflag:s14], $0x80  }
0x7b: {  	[sflag:s14] =	ssyncset.done $0x0  }
0x7c: {  	[sflag:s14] =	ssyncadd.s32 $0xFFFFFF80  }
.Ltmp0:
0x7d: {  	_ =	swait.ge [sflag:s14], $0x80;
	(pc) =	sbr.rel @p0 .LBB2_2-.Ltmp0, $4  }
0x7e: {  	[sflag:s14] =	ssyncset.done $0x0  }
0x7f: {  	[sflag:s14] =	ssyncadd.s32 $0xFFFFFF80  }
0x80: {  	_ =	swait.ge [sflag:s14], $0x80  }
0x81: {  	s20 =	smov.u32 s19;
	[sflag:s14] =	ssyncset.done $0x0  }
0x82: {  	s18 =	sshra.s32 s18, $0x2;
	[sflag:s14] =	ssyncadd.s32 $0xFFFFFF80  }
0x83: {  	[spmem:s2] =	stream.indirect.scatter.add.f32 [tilespmem:s13], [sflag:$0x1], $0x1, s18, s12, $0xb8;
	[tilespmem:$0x5580] =	vst v63  }
0x84: {  	s19 =	sadd.s32 $0x80, s18  }
0x85: {  	[spmem:s2] =	stream.indirect.scatter.add.f32 [tilespmem:s13], [sflag:$0x1], $0x1, s19, s12, $0xb8;
	[tilespmem:$0x5580] =	vst v63  }
0x86: {  	s24 =	sadd.s32 $0x100, s18  }
0x87: {  	[spmem:s2] =	stream.indirect.scatter.add.f32 [tilespmem:s13], [sflag:$0x1], $0x1, s24, s12, $0xb8;
	[tilespmem:$0x5580] =	vst v63  }
0x88: {  	s25 =	sadd.s32 $0x180, s18  }
0x89: {  	[spmem:s2] =	stream.indirect.scatter.add.f32 [tilespmem:s13], [sflag:$0x1], $0x1, s25, s12, $0xb8;
	[tilespmem:$0x5580] =	vst v63  }
0x8a: {  	s26 =	sadd.s32 $0x200, s18  }
0x8b: {  	[spmem:s2] =	stream.indirect.scatter.add.f32 [tilespmem:s13], [sflag:$0x1], $0x1, s26, s12, $0xb8;
	[tilespmem:$0x5580] =	vst v63  }
0x8c: {  	s28 =	sadd.s32 $0x280, s18  }
0x8d: {  	[spmem:s2] =	stream.indirect.scatter.add.f32 [tilespmem:s13], [sflag:$0x1], $0x1, s28, s12, $0xb8;
	[tilespmem:$0x5580] =	vst v63  }
0x8e: {  	s29 =	sadd.s32 $0x300, s18  }
0x8f: {  	[spmem:s2] =	stream.indirect.scatter.add.f32 [tilespmem:s13], [sflag:$0x1], $0x1, s29, s12, $0xb8;
	[tilespmem:$0x5580] =	vst v63  }
0x90: {  	s30 =	sadd.s32 $0x380, s18  }
0x91: {  	[spmem:s2] =	stream.indirect.scatter.add.f32 [tilespmem:s13], [sflag:$0x1], $0x1, s30, s12, $0xb8;
	[tilespmem:$0x5580] =	vst v63  }
0x92: {  	s31 =	sadd.s32 $0x400, s18  }
0x93: {  	[spmem:s2] =	stream.indirect.scatter.add.f32 [tilespmem:s13], [sflag:$0x1], $0x1, s31, s12, $0xb8;
	[tilespmem:$0x5580] =	vst v63  }
0x94: {  	s18 =	sadd.s32 $0x480, s18  }
0x95: {  	[spmem:s2] =	stream.indirect.scatter.add.f32 [tilespmem:s13], [sflag:$0x1], $0x1, s18, s12, $0xb8;
	[tilespmem:$0x5580] =	vst v63  }
0x96: {  	_ =	swait.ge [sflag:s14], $0x80  }
0x97: {  	[sflag:s14] =	ssyncset.done $0x0  }
0x98: {  	[sflag:s14] =	ssyncadd.s32 $0xFFFFFF80  }
0x99: {  	_ =	swait.ge [sflag:s14], $0x80  }
0x9a: {  	[sflag:s14] =	ssyncset.done $0x0  }
0x9b: {  	[sflag:s14] =	ssyncadd.s32 $0xFFFFFF80  }
0x9c: {  	_ =	swait.ge [sflag:s14], $0x80  }
0x9d: {  	[sflag:s14] =	ssyncset.done $0x0  }
0x9e: {  	[sflag:s14] =	ssyncadd.s32 $0xFFFFFF80  }
0x9f: {  	_ =	swait.ge [sflag:s14], $0x80  }
0xa0: {  	[sflag:s14] =	ssyncset.done $0x0  }
0xa1: {  	[sflag:s14] =	ssyncadd.s32 $0xFFFFFF80  }
0xa2: {  	_ =	swait.ge [sflag:s14], $0x80  }
0xa3: {  	[sflag:s14] =	ssyncset.done $0x0  }
0xa4: {  	[sflag:s14] =	ssyncadd.s32 $0xFFFFFF80  }
0xa5: {  	_ =	swait.ge [sflag:s14], $0x80  }
0xa6: {  	[sflag:s14] =	ssyncset.done $0x0  }
0xa7: {  	[sflag:s14] =	ssyncadd.s32 $0xFFFFFF80  }
0xa8: {  	_ =	swait.ge [sflag:s14], $0x80  }
0xa9: {  	[sflag:s14] =	ssyncset.done $0x0  }
0xaa: {  	[sflag:s14] =	ssyncadd.s32 $0xFFFFFF80  }
0xab: {  	_ =	swait.ge [sflag:s14], $0x80  }
0xac: {  	[sflag:s14] =	ssyncset.done $0x0  }
0xad: {  	[sflag:s14] =	ssyncadd.s32 $0xFFFFFF80  }
0xae: {  	_ =	swait.ge [sflag:s14], $0x80  }
0xaf: {  	[sflag:s14] =	ssyncset.done $0x0  }
0xb0: {  	[sflag:s14] =	ssyncadd.s32 $0xFFFFFF80  }
0xb1: {  	_ =	swait.ge [sflag:s14], $0x80  }
0xb2: {  	[sflag:s14] =	ssyncset.done $0x0  }
0xb3: {  	[sflag:s14] =	ssyncadd.s32 $0xFFFFFF80  }
0xb4: {  	[bflag:$0x0] =	sbarrier.arrive $0xFFFF  }
0xb5: {  	[tilespmem:s15], [sflag:$0x2] =	stream.linear.gather [spmem:s5], $0x280, $0x38;
	[tilespmem:$0x5580] =	vst v63  }
0xb6: {  	_ =	swait.ge [sflag:s9], $0x280  }
0xb7: {  	[sflag:s9] =	ssyncset.done $0x0  }
0xb8: {  	s19 =	simm.s32 $0x40;
	s18 =	simm.s32 $0x0;
	[sflag:s9] =	ssyncadd.s32 $0xFFFFFD80  }
.LBB2_4:
0xb9: {  	p0 =	sne.s32 s19, $0x9C0;
	v1 =	vld [tilespmem:s18+$0x5080];
	_ =	sdelay $0x4  }
0xba: {  	v1 =	vmax.f32 v1, $1.000000000e+00  }
0xbb: {  	v2 =	vshra.s32 v1, $0x1;
	v1 =	vmul.f32 $5.000000000e-01, v1  }
0xbc: {  	v2 =	vsub.s32 $0x5F3759DF, v2  }
0xbd: {  	v3 =	vmul.f32 v2, v1;
	_ =	sdelay $0x1  }
0xbe: {  	v3 =	vmul.f32 v2, v3;
	_ =	sdelay $0x1  }
0xbf: {  	v3 =	vsub.f32 $1.500000000e+00, v3;
	_ =	sdelay $0x1  }
0xc0: {  	v2 =	vmul.f32 v2, v3;
	_ =	sdelay $0x1  }
0xc1: {  	v3 =	vmul.f32 v2, v1;
	_ =	sdelay $0x1  }
0xc2: {  	v3 =	vmul.f32 v3, v2;
	_ =	sdelay $0x1  }
0xc3: {  	v3 =	vsub.f32 $1.500000000e+00, v3;
	_ =	sdelay $0x1  }
0xc4: {  	v2 =	vmul.f32 v3, v2;
	_ =	sdelay $0x1  }
0xc5: {  	v1 =	vmul.f32 v2, v1;
	_ =	sdelay $0x1  }
0xc6: {  	v1 =	vmul.f32 v1, v2;
	_ =	sdelay $0x1  }
.Ltmp1:
0xc7: {  	v1 =	vsub.f32 $1.500000000e+00, v1;
	(pc) =	sbr.rel @p0 .LBB2_4-.Ltmp1, $3  }
0xc8: {  	_ = 	snop  }
0xc9: {  	v1 =	vmul.f32 v1, v2;
	_ =	sdelay $0x1  }
0xca: {  	[tilespmem:s18+$0x5080] =	vst v1;
	s18 =	sshra.s32 s19, $0x2;
	s19 =	sadd.s32 $0x40, s19  }
0xcb: {  	v1 =	vld [tilespmem:s18+$0x5080];
	_ =	sdelay $0x4  }
0xcc: {  	v1 =	vmax.f32 v1, $1.000000000e+00  }
0xcd: {  	v2 =	vshra.s32 v1, $0x1;
	v1 =	vmul.f32 $5.000000000e-01, v1  }
0xce: {  	v2 =	vsub.s32 $0x5F3759DF, v2  }
0xcf: {  	v3 =	vmul.f32 v2, v1;
	_ =	sdelay $0x1  }
0xd0: {  	v3 =	vmul.f32 v2, v3;
	_ =	sdelay $0x1  }
0xd1: {  	v3 =	vsub.f32 $1.500000000e+00, v3;
	_ =	sdelay $0x1  }
0xd2: {  	v2 =	vmul.f32 v2, v3;
	_ =	sdelay $0x1  }
0xd3: {  	v3 =	vmul.f32 v2, v1;
	_ =	sdelay $0x1  }
0xd4: {  	v3 =	vmul.f32 v3, v2;
	_ =	sdelay $0x1  }
0xd5: {  	v3 =	vsub.f32 $1.500000000e+00, v3;
	_ =	sdelay $0x1  }
0xd6: {  	v2 =	vmul.f32 v3, v2;
	_ =	sdelay $0x1  }
0xd7: {  	v1 =	vmul.f32 v2, v1;
	_ =	sdelay $0x1  }
0xd8: {  	v1 =	vmul.f32 v1, v2;
	_ =	sdelay $0x1  }
0xd9: {  	v1 =	vsub.f32 $1.500000000e+00, v1;
	_ =	sdelay $0x1  }
0xda: {  	s17 =	sadd.s32 $0x1, s17;
	v1 =	vmul.f32 v1, v2  }
0xdb: {  	p0 =	sne.s32 s17, s8  }
.Ltmp2:
0xdc: {  	[tilespmem:s18+$0x5080] =	vst v1;
	(pc) =	sbr.rel @p0 .LBB2_1-.Ltmp2, $4  }
0xdd: {  	[hbm4b:s7+s12] =	stream.strided.scatter [tilespmem:s15], [sflag:$0x2], $0x280, s16, s12, $0x38;
	[tilespmem:$0x5580] =	vst v63  }
0xde: {  	_ =	swait.ge [sflag:s9], $0x280  }
0xdf: {  	[sflag:s9] =	ssyncset.done $0x0  }
0xe0: {  	[sflag:s9] =	ssyncadd.s32 $0xFFFFFD80  }
0xe1: {  	_ =	sfence.sel $0x180000  }
0xe2: {  	[bflag:$0x0] =	sbarrier.arrive $0xFFFF  }
0xe3: {  	p0 =	sne.s32 s1, $0x0;
	_ =	strace $0x90000047  }
0xe4: {  	s0 =	sadd.s32 @!p0 $0x100000, s0;
	[bflag:$0x2] =	sbarrier.arrive $0xFFFF  }
0xe5: {  	[sflag:s0] =	ssyncadd.tile.s32 @!p0 $0x1;
	_ =	shalt  }
.Lfunc_end2:
_tile_overlayer_lowered:
.L_overlay_start_2:
0xe6: {  	(tag) =	ssettag $0x2  }
0xe7: {  	s0 =	rddreg [dreg:$0x0];
	s2 =	stileid.u32  }
0xe8: {  	s1 =	rddreg [dreg:$0x1];
	p0 =	sne.s32 s2, $0x0  }
0xe9: {  	s3 =	rddreg [dreg:$0x2];
	[bflag:$0x3] =	sbarrier.arrive $0xFFFF;
	s2 =	simm.s32 @!p0 $0x1C02  }
0xea: {  	[timem:s3], [sflag:s2] =	dma.local @!p0 [hbm:s0], s1  }
0xeb: {  	s0 =	simm.s32 @!p0 $0x2  }
0xec: {  	_ =	swait.ge @!p0 [sflag:s0], s1  }
0xed: {  	s1 =	ssub.s32 @!p0 $0x0, s1;
	[sflag:s0] =	ssyncset.done @!p0 $0x0  }
0xee: {  	[sflag:s0] =	ssyncadd.s32 @!p0 s1  }
0xef: {  	[bflag:$0x3] =	sbarrier.arrive $0xFFFF  }
0xf0: {  	_ =	shalt  }

// kernel: kernel.13.cloned.1.call-start
scs
__scs_entry_jumppad:
0x0: {  	(pc) =	sbr.rel $0x88, $3  }
0x1: {  	(tag) =	ssettag $0x0;
	lr =	simm.s32 $0x1  }
0x2: {  	[smem:$0x3F99] =	sst lr;
	_ =	strace $0xD0000000  }
0x3: {  	_ = 	snop  }
0x4: {  	_ = 	snop  }
0x5: {  	_ = 	snop  }
0x6: {  	_ = 	snop  }
0x7: {  	_ = 	snop  }
__scs_overlays_trampoline_lowered:
0x8: {  	[smem:$0x3FA8] =	sst s0  }
0x9: {  	[smem:$0x3FA9] =	sst s1  }
0xa: {  	[smem:$0x3FAA] =	sst s2  }
0xb: {  	[smem:$0x3FAB] =	sst s3  }
0xc: {  	[smem:$0x3FAC] =	sst s4  }
0xd: {  	[smem:$0x3FAD] =	sst s5  }
0xe: {  	[smem:$0x3FAE] =	sst s6  }
0xf: {  	[smem:$0x3FAF] =	sst s7  }
0x10: {  	[smem:$0x3FB0] =	sst s8  }
0x11: {  	[smem:$0x3FB1] =	sst s9;
	s0 =	simm.s32 @!p0 $0x0  }
0x12: {  	s1 =	sld [smem:$0x3F97];
	s0 =	simm.s32 @p0 $0x1  }
0x13: {  	[smem:$0x3FB2] =	sst s0;
	s0 =	simm.s32 @!p1 $0x0  }
0x14: {  	s2 =	sld [smem:$0x3F96];
	s0 =	simm.s32 @p1 $0x1  }
0x15: {  	[smem:$0x3FB3] =	sst s0;
	s0 =	simm.s32 @!p2 $0x0  }
0x16: {  	s3 =	sld [smem:$0x3FDB];
	s0 =	simm.s32 @p2 $0x1  }
0x17: {  	s4 =	simm.s32 $0x1BF5;
	[smem:$0x3FB5] =	sst s0  }
0x18: {  	s0 =	sld [smem:$0x3F98];
	_ =	swait.ge [sflag:s4], $0x0  }
0x19: {  	s7 =	sld [smem:$0x3F99]  }
0x1a: {  	s8 =	sadd.s32 $0xFFFFE003, lr  }
0x1b: {  	s9 =	sadd.s32 $0xFFFFFEF7, lr;
	s5 =	simm.s32 $0xFFFFFFFF;
	p2 =	slt.u32 s8, $0xFFFFF086  }
0x1c: {  	p1 =	slt.u32 s9, $0xF7A;
	s5 =	simm.s32 @!p2 $0x0  }
0x1d: {  	s5 =	simm.s32 @p1 $0x1;
	p0 =	seq.s32 s7, s2  }
0x1e: {  	s7 =	smul.u32 @!p0 $0xF7A, s2;
	p2 =	seq.s32 @!p0 s5, $0x0  }
0x1f: {  	s9 =	smul.u32 $0xF7A, s1;
	s8 =	simm.s32 @!p0 $0x1BF5;
	p2 =	por !p2, p0  }
0x20: {  	[sflag:s8] =	ssyncset.s32 @!p0 $0xFFFFF086;
	s6 =	sadd.s32 @!p0 s3, s7;
	s7 =	simm.s32 @!p0 $0x108  }
0x21: {  	s3 =	sadd.s32 s3, s9;
	s6 =	sadd.s32 @!p0 $0x88, s6;
	s7 =	simm.s32 @p2 $0x1082  }
0x22: {  	[simem:s7], [sflag:s8] =	dma.local @!p0 [hbm:s6], $0xF7A  }
0x23: {  	s9 =	sor.u32 $0xD0000000, s2;
	s6 =	simm.s32 $0x108;
	_ =	swait.ge @!p0 [sflag:s8], $0x0  }
0x24: {  	s3 =	sadd.s32 $0x88, s3;
	s6 =	simm.s32 @!p1 $0x1082;
	[sflag:s4] =	ssyncset.s32 $0xFFFFF086  }
0x25: {  	[simem:s6], [sflag:s4] =	dma.local [hbm:s3], $0xF7A  }
0x26: {  	[smem:$0x3F99] =	sst s1;
	(tag) =	ssettag s2;
	_ =	strace s9  }
0x27: {  	s1 =	sld [smem:$0x3FA9]  }
0x28: {  	s2 =	sld [smem:$0x3FAA]  }
0x29: {  	s4 =	sld [smem:$0x3FAC]  }
0x2a: {  	p0 =	seq.s32 s5, $0x0;
	s5 =	sld [smem:$0x3FAD]  }
0x2b: {  	s6 =	sld [smem:$0x3FAE]  }
0x2c: {  	s7 =	sld [smem:$0x3FAF]  }
0x2d: {  	s3 =	simm.s32 $0x108;
	s8 =	sld [smem:$0x3FB0]  }
0x2e: {  	s3 =	simm.s32 @!p0 $0x1082;
	s9 =	sld [smem:$0x3FB1]  }
0x2f: {  	lr =	sadd.s32 s0, s3;
	s0 =	sld [smem:$0x3FA8]  }
0x30: {  	s3 =	sld [smem:$0x3FAB]  }
0x31: {  	[smem:$0x3FB4] =	sst s10  }
0x32: {  	s10 =	sld [smem:$0x3FB2];
	_ =	sdelay $0x3  }
0x33: {  	p0 =	seq.s32 s10, $0x1;
	s10 =	sld [smem:$0x3FB4];
	_ =	sdelay $0x3  }
0x34: {  	[smem:$0x3FB4] =	sst s10  }
0x35: {  	s10 =	sld [smem:$0x3FB3];
	_ =	sdelay $0x3  }
0x36: {  	p1 =	seq.s32 s10, $0x1;
	s10 =	sld [smem:$0x3FB4];
	_ =	sdelay $0x3  }
0x37: {  	[smem:$0x3FB4] =	sst s10  }
0x38: {  	s10 =	sld [smem:$0x3FB5]  }
0x39: {  	_ = 	snop;
	(pc) =	sbr.ind lr, $3  }
0x3a: {  	_ = 	snop  }
0x3b: {  	_ = 	snop  }
0x3c: {  	p2 =	seq.s32 s10, $0x1;
	s10 =	sld [smem:$0x3FB4]  }
0x3d: {  	_ =	shalt  }
0x3e: {  	_ =	shalt  }
0x3f: {  	_ =	shalt  }
0x40: {  	_ =	shalt  }
0x41: {  	_ =	shalt  }
0x42: {  	_ =	shalt  }
0x43: {  	_ =	shalt  }
0x44: {  	_ =	shalt  }
0x45: {  	_ =	shalt  }
0x46: {  	_ =	shalt  }
0x47: {  	_ =	shalt  }
0x48: {  	_ =	shalt  }
0x49: {  	_ =	shalt  }
0x4a: {  	_ =	shalt  }
0x4b: {  	_ =	shalt  }
0x4c: {  	_ =	shalt  }
0x4d: {  	_ =	shalt  }
0x4e: {  	_ =	shalt  }
0x4f: {  	_ =	shalt  }
0x50: {  	_ =	shalt  }
0x51: {  	_ =	shalt  }
0x52: {  	_ =	shalt  }
0x53: {  	_ =	shalt  }
0x54: {  	_ =	shalt  }
0x55: {  	_ =	shalt  }
0x56: {  	_ =	shalt  }
0x57: {  	_ =	shalt  }
0x58: {  	_ =	shalt  }
0x59: {  	_ =	shalt  }
0x5a: {  	_ =	shalt  }
0x5b: {  	_ =	shalt  }
0x5c: {  	_ =	shalt  }
0x5d: {  	_ =	shalt  }
0x5e: {  	_ =	shalt  }
0x5f: {  	_ =	shalt  }
0x60: {  	_ =	shalt  }
0x61: {  	_ =	shalt  }
0x62: {  	_ =	shalt  }
0x63: {  	_ =	shalt  }
0x64: {  	_ =	shalt  }
0x65: {  	_ =	shalt  }
0x66: {  	_ =	shalt  }
0x67: {  	_ =	shalt  }
0x68: {  	_ =	shalt  }
0x69: {  	_ =	shalt  }
0x6a: {  	_ =	shalt  }
0x6b: {  	_ =	shalt  }
0x6c: {  	_ =	shalt  }
0x6d: {  	_ =	shalt  }
0x6e: {  	_ =	shalt  }
0x6f: {  	_ =	shalt  }
0x70: {  	_ =	shalt  }
0x71: {  	_ =	shalt  }
0x72: {  	_ =	shalt  }
0x73: {  	_ =	shalt  }
0x74: {  	_ =	shalt  }
0x75: {  	_ =	shalt  }
0x76: {  	_ =	shalt  }
0x77: {  	_ =	shalt  }
0x78: {  	_ =	shalt  }
0x79: {  	_ =	shalt  }
0x7a: {  	_ =	shalt  }
0x7b: {  	_ =	shalt  }
0x7c: {  	_ =	shalt  }
0x7d: {  	_ =	shalt  }
0x7e: {  	_ =	shalt  }
0x7f: {  	_ =	shalt  }
0x80: {  	_ =	shalt  }
0x81: {  	_ =	shalt  }
0x82: {  	_ =	shalt  }
0x83: {  	_ =	shalt  }
0x84: {  	_ =	shalt  }
0x85: {  	_ =	shalt  }
0x86: {  	_ =	shalt  }
0x87: {  	_ =	shalt  }
.Lfunc_end0:
.L_simem_size_0:
called_computation.1_lowered:
.L_overlay_start_0:
0x88: {  	s0 =	sld [smem:$0x3FD9]  }
0x89: {  	s1 =	sld [smem:$0x3FFE];
	_ =	sdelay $0x3  }
0x8a: {  	s0 =	sadd.s32 s1, s0  }
0x8b: {  	[smem:$0x3FC0] =	sst s0  }
0x8c: {  	_ = 	snop  }
0x8d: {  	s0 =	sld [smem:$0x3FD0];
	(tm) =	ssettm $0x1  }
0x8e: {  	s16 =	sld [smem:$0x3FFB];
	_ =	sdelay $0x3  }
0x8f: {  	_ =	strace s16  }
0x90: {  	s1 =	sld [smem:$0x3FFC];
	_ =	sdelay $0x3  }
0x91: {  	_ =	strace s1  }
0x92: {  	s1 =	sld [smem:$0x3FFD];
	_ =	sdelay $0x3  }
0x93: {  	_ =	strace s1  }
0x94: {  	_ =	strace $0x8FFFFFFF  }
0x95: {  	s17 =	sld [smem:$0x3FDB];
	_ =	sdelay $0x1  }
0x96: {  	s2 =	simm.s32 $_scs_section_size  }
0x97: {  	s3 =	simm.s32 $_size__tile_overlayer_lowered;
	s4 =	simm.s32 $_tile_overlayer_lowered  }
0x98: {  	s20 =	simm.s32 $0x1BFF;
	s19 =	sshll.u32 s4, $0x1;
	s1 =	sadd.s32 s2, s17  }
0x99: {  	s5 =	simm.s32 $0x0;
	s18 =	sshll.u32 s3, $0x1;
	s3 =	sadd.s32 s19, s1  }
0x9a: {  	[timem:s5], [sflag:s20] =	dma.local [hbm:s3], s18  }
0x9b: {  	_ =	swait.ge [sflag:s20], s18  }
0x9c: {  	s2 =	ssub.s32 $0x0, s18;
	[sflag:s20] =	ssyncset.done $0x0  }
0x9d: {  	[sflag:s20] =	ssyncadd.s32 s2;
	_ =	sdelay $0x1  }
0x9e: {  	s21 =	simm.s32 $0x1B8B  }
0x9f: {  	_ =	swait.ge [sflag:s21], $0x1  }
0xa0: {  	[sflag:s21] =	ssyncset.done $0x0  }
0xa1: {  	s23 =	simm.s32 $0x1B8E;
	s22 =	sld [smem:$0x3FFE];
	[sflag:s21] =	ssyncadd.s32 $0xFFFFFFFF  }
0xa2: {  	s24 =	simm.s32 $execute0_lowered;
	[smem:$0x3FD2] =	sst s23  }
0xa3: {  	s3 =	sshll.u32 s24, $0x1;
	_ =	strace $0x80000049;
	[dreg:$0x1] =	wrdreg $0xFFFFFFFF  }
0xa4: {  	s25 =	simm.s32 $_size_execute0_lowered;
	s1 =	sadd.s32 s1, s3;
	[dreg:$0x0] =	wrdreg $0x0  }
0xa5: {  	s3 =	sshll.u32 s25, $0x1;
	[dreg:$0x2] =	wrdreg s1  }
0xa6: {  	[dreg:$0x3] =	wrdreg s3  }
0xa7: {  	[dreg:$0x4] =	wrdreg $0xC0  }
0xa8: {  	_ =	task [dreg:s5], $0x5FFFF  }
0xa9: {  	[dreg:$0x1] =	wrdreg $0xFFFFFFFF  }
0xaa: {  	[dreg:$0x0] =	wrdreg $0x60  }
0xab: {  	[dreg:$0x2] =	wrdreg s22  }
0xac: {  	[dreg:$0x3] =	wrdreg s0  }
0xad: {  	[dreg:$0x4] =	wrdreg $0xA0000  }
0xae: {  	[dreg:$0x5] =	wrdreg $0x9  }
0xaf: {  	_ =	task.clear_ibuf [dreg:s5], $0x6FFFF;
	_ =	strace $0x90000049  }
0xb0: {  	s26 =	simm.s32 $0x9;
	_ =	strace $0x8000004B  }
0xb1: {  	_ =	swait.ge [sflag:s26], $0x1  }
0xb2: {  	[sflag:s26] =	ssyncadd.s32 $0xFFFFFFFF  }
0xb3: {  	_ =	strace $0x9000004B  }
0xb4: {  	_ =	sfence  }
0xb5: {  	s28 =	sld [smem:$0x0];
	_ =	sdelay $0x1  }
0xb6: {  	s29 =	srdreg.scid  }
0xb7: {  	s30 =	sshll.u32 s29, $0xD;
	s31 =	sshrl.u32 s29, $0x2  }
0xb8: {  	s2 =	sand.u32 $0x4000, s30;
	s1 =	sand.u32 $0x1, s29;
	s0 =	sadd.s32 s31, s28  }
0xb9: {  	s1 =	sor.u32 s2, s1;
	s0 =	sshll.u32 s0, $0x11  }
0xba: {  	s0 =	sor.u32 s0, s1  }
0xbb: {  	s0 =	sadd.s32 $0x8F2B, s0  }
0xbc: {  	[sflag:s0] =	ssyncadd.remote.s32 $0x1  }
0xbd: {  	_ =	sfence.sel $0xFFFF  }
0xbe: {  	[dreg:$0x0] =	wrdreg $0xFFFFFFFF;
	(pc) =	sbr.abs _section_cstart, $3  }
0xbf: {  	[dreg:$0x1] =	wrdreg $0xFFFFFFFF  }
0xc0: {  	_ =	task.clear_ibuf [dreg:s5], $0x2FFFF;
	_ =	strace $0x9FFFFFFF  }
0xc1: {  	(tm) =	ssettm $0x7FFFFFFF  }
tec
execute0_lowered:
.L_overlay_start_1:
0x0: {  	(tag) =	ssettag $0x1  }
0x1: {  	s10 =	rddreg [dreg:$0x0]  }
0x2: {  	s2 =	rddreg [dreg:$0x1]  }
0x3: {  	s3 =	rddreg [dreg:$0x2]  }
0x4: {  	s1 =	stileid.u32;
	s0 =	rddreg [dreg:$0x3];
	s4 =	simm.s32 $0x0  }
0x5: {  	s13 =	simm.s32 $0x1000;
	s14 =	simm.s32 $0x80;
	s6 =	smul.u32 $0x50000, s1  }
0x6: {  	s15 =	simm.s32 $0x2000;
	s16 =	simm.s32 $0x6000;
	s5 =	smul.u32 $0x2800, s1  }
0x7: {  	s17 =	simm.s32 $0x1;
	s18 =	simm.s32 $0x2;
	[smem:$0x7FF] =	sst s4  }
0x8: {  	s31 =	sshll.u32 s1, $0x6;
	s6 =	sshrl.u32 s6, $0x2;
	s7 =	sadd.s32 s5, s10  }
0x9: {  	_ =	strace $0x8000004A;
	s8 =	sadd.s32 s6, s3;
	s9 =	sadd.s32 $0x48C00, s7  }
0xa: {  	s6 =	sor.u32 $0x1C05, s31;
	s7 =	sshrl.u32 s8, $0x3;
	s8 =	simm.s32 $0x5  }
0xb: {  	[spmem:s7], [sflag:s6] =	dma.local [hbm:s9], $0x2800  }
0xc: {  	s19 =	simm.s32 $0x1080;
	s20 =	simm.s32 $0x3;
	_ =	swait.ge [sflag:s8], $0x2800  }
0xd: {  	s21 =	simm.s32 $0x4;
	s22 =	simm.s32 $0x0;
	[sflag:s8] =	ssyncset.done $0x0  }
0xe: {  	s11 =	sadd.s32 $0x17A00, s10;
	s12 =	smul.u32 $0x5000, s1;
	[sflag:s8] =	ssyncadd.s32 $0xFFFFD800  }
0xf: {  	s9 =	sadd.s32 $0x21A00, s10;
	s10 =	sadd.s32 $0x70C00, s10;
	[bflag:$0x0] =	sbarrier.arrive $0xFFFF  }
.LBB2_1:
0x10: {  	s23 =	sshll.u32 s22, $0xC  }
0x11: {  	s23 =	sadd.s32 s12, s23  }
0x12: {  	s23 =	sshrl.u32 s23, $0x3  }
0x13: {  	s24 =	sadd.s32 s2, s23  }
0x14: {  	[tilespmem:s4], [sflag:$0x5] =	stream.linear.gather [hbm4b:s24+s4], $0x1000, $0x38;
	[tilespmem:$0x1E000] =	vst v63  }
0x15: {  	_ =	swait.ge [sflag:s8], $0x1000  }
0x16: {  	[sflag:s8] =	ssyncset.done $0x0  }
0x17: {  	s23 =	sadd.s32 s11, s23;
	[sflag:s8] =	ssyncadd.s32 $0xFFFFF000  }
0x18: {  	[tilespmem:s13], [sflag:$0x5] =	stream.linear.gather [hbm4b:s23+s4], $0x1000, $0x38;
	[tilespmem:$0x1E000] =	vst v63  }
0x19: {  	_ =	swait.ge [sflag:s8], $0x1000  }
0x1a: {  	[sflag:s8] =	ssyncset.done $0x0  }
0x1b: {  	[sflag:s8] =	ssyncadd.s32 $0xFFFFF000  }
0x1c: {  	[tilespmem:s15], [sflag:$0x1] =	stream.indirect.gather [hbm4b:s9+s14], $0x80, s4, s14, $0xb8;
	[tilespmem:$0x1E000] =	vst v63  }
0x1d: {  	_ = 	snop  }
0x1e: {  	[tilespmem:s16], [sflag:$0x2] =	stream.indirect.gather [hbm4b:s9+s14], $0x80, s14, s14, $0xb8;
	[tilespmem:$0x1E000] =	vst v63  }
0x1f: {  	_ =	swait.ge [sflag:s17], $0x4000  }
0x20: {  	[sflag:s17] =	ssyncset.done $0x0  }
0x21: {  	[sflag:s17] =	ssyncadd.s32 $0xFFFFC000  }
0x22: {  	[spmem:s3] =	stream.indirect.scatter.add.f32 [tilespmem:s15], [sflag:$0x3], $0x80, s13, s14, $0xb8;
	[tilespmem:$0x1E000] =	vst v63  }
0x23: {  	_ =	swait.ge [sflag:s18], $0x4000  }
0x24: {  	[sflag:s18] =	ssyncset.done $0x0  }
0x25: {  	[sflag:s18] =	ssyncadd.s32 $0xFFFFC000  }
0x26: {  	[spmem:s3] =	stream.indirect.scatter.add.f32 [tilespmem:s16], [sflag:$0x4], $0x80, s19, s14, $0xb8;
	[tilespmem:$0x1E000] =	vst v63  }
0x27: {  	_ =	swait.ge [sflag:s20], $0x4000  }
0x28: {  	[sflag:s20] =	ssyncset.done $0x0  }
0x29: {  	s29 =	simm.s32 $0x100;
	[sflag:s20] =	ssyncadd.s32 $0xFFFFC000  }
0x2a: {  	[tilespmem:s15], [sflag:$0x1] =	stream.indirect.gather [hbm4b:s9+s14], $0x80, s29, s14, $0xb8;
	[tilespmem:$0x1E000] =	vst v63  }
0x2b: {  	_ =	swait.ge [sflag:s21], $0x4000  }
0x2c: {  	[sflag:s21] =	ssyncset.done $0x0  }
0x2d: {  	s30 =	simm.s32 $0x180;
	[sflag:s21] =	ssyncadd.s32 $0xFFFFC000  }
0x2e: {  	[tilespmem:s16], [sflag:$0x2] =	stream.indirect.gather [hbm4b:s9+s14], $0x80, s30, s14, $0xb8;
	[tilespmem:$0x1E000] =	vst v63  }
0x2f: {  	_ =	swait.ge [sflag:s17], $0x4000  }
0x30: {  	[sflag:s17] =	ssyncset.done $0x0  }
0x31: {  	s31 =	simm.s32 $0x1100;
	[sflag:s17] =	ssyncadd.s32 $0xFFFFC000  }
0x32: {  	[spmem:s3] =	stream.indirect.scatter.add.f32 [tilespmem:s15], [sflag:$0x3], $0x80, s31, s14, $0xb8;
	[tilespmem:$0x1E000] =	vst v63  }
0x33: {  	_ =	swait.ge [sflag:s18], $0x4000  }
0x34: {  	[sflag:s18] =	ssyncset.done $0x0  }
0x35: {  	s24 =	simm.s32 $0x1180;
	s23 =	simm.s32 $0xFFFFC800;
	[sflag:s18] =	ssyncadd.s32 $0xFFFFC000  }
.LBB2_2:
0x36: {  	[spmem:s3] =	stream.indirect.scatter.add.f32 [tilespmem:s16], [sflag:$0x4], $0x80, s24, s14, $0xb8;
	[tilespmem:$0x1E000] =	vst v63  }
0x37: {  	s24 =	smov.u32 s23  }
0x38: {  	p0 =	sne.s32 s23, $0xFFFFFC00;
	s23 =	sadd.s32 $0x400, s23;
	_ =	swait.ge [sflag:s20], $0x4000  }
0x39: {  	s24 =	sshra.s32 s24, $0x2;
	[sflag:s20] =	ssyncset.done $0x0  }
0x3a: {  	s25 =	sadd.s32 $0x1000, s24;
	[sflag:s20] =	ssyncadd.s32 $0xFFFFC000  }
0x3b: {  	[tilespmem:s15], [sflag:$0x1] =	stream.indirect.gather [hbm4b:s9+s14], $0x80, s25, s14, $0xb8;
	[tilespmem:$0x1E000] =	vst v63  }
0x3c: {  	_ =	swait.ge [sflag:s21], $0x4000  }
0x3d: {  	[sflag:s21] =	ssyncset.done $0x0  }
0x3e: {  	s25 =	sadd.s32 $0x1080, s24;
	[sflag:s21] =	ssyncadd.s32 $0xFFFFC000  }
0x3f: {  	[tilespmem:s16], [sflag:$0x2] =	stream.indirect.gather [hbm4b:s9+s14], $0x80, s25, s14, $0xb8;
	[tilespmem:$0x1E000] =	vst v63  }
0x40: {  	_ =	swait.ge [sflag:s17], $0x4000  }
0x41: {  	[sflag:s17] =	ssyncset.done $0x0  }
.Ltmp0:
0x42: {  	s25 =	sadd.s32 $0x2000, s24;
	[sflag:s17] =	ssyncadd.s32 $0xFFFFC000;
	(pc) =	sbr.rel @p0 .LBB2_2-.Ltmp0, $4  }
0x43: {  	[spmem:s3] =	stream.indirect.scatter.add.f32 [tilespmem:s15], [sflag:$0x3], $0x80, s25, s14, $0xb8;
	[tilespmem:$0x1E000] =	vst v63  }
0x44: {  	_ =	swait.ge [sflag:s18], $0x4000  }
0x45: {  	[sflag:s18] =	ssyncset.done $0x0  }
0x46: {  	s24 =	sadd.s32 $0x2080, s24;
	[sflag:s18] =	ssyncadd.s32 $0xFFFFC000  }
0x47: {  	[spmem:s3] =	stream.indirect.scatter.add.f32 [tilespmem:s16], [sflag:$0x4], $0x80, s24, s14, $0xb8;
	[tilespmem:$0x1E000] =	vst v63  }
0x48: {  	s22 =	sadd.s32 $0x1, s22  }
0x49: {  	_ =	swait.ge [sflag:s20], $0x4000;
	p0 =	sne.s32 s22, $0x5  }
.Ltmp1:
0x4a: {  	[sflag:s20] =	ssyncset.done $0x0;
	(pc) =	sbr.rel @p0 .LBB2_1-.Ltmp1, $4  }
0x4b: {  	[sflag:s20] =	ssyncadd.s32 $0xFFFFC000  }
0x4c: {  	_ =	swait.ge [sflag:s21], $0x4000  }
0x4d: {  	[sflag:s21] =	ssyncset.done $0x0  }
0x4e: {  	[sflag:s21] =	ssyncadd.s32 $0xFFFFC000  }
0x4f: {  	s2 =	sadd.s32 s10, s5;
	[bflag:$0x0] =	sbarrier.arrive $0xFFFF;
	s31 =	simm.s32 $0x5  }
0x50: {  	[hbm:s2], [sflag:s6] =	dma.local [spmem:s7], $0x2800  }
0x51: {  	_ =	swait.ge [sflag:s31], $0x2800  }
0x52: {  	[sflag:s31] =	ssyncset.done $0x0  }
0x53: {  	[sflag:s31] =	ssyncadd.s32 $0xFFFFD800  }
0x54: {  	_ =	sfence.sel $0x180000  }
0x55: {  	[bflag:$0x0] =	sbarrier.arrive $0xFFFF  }
0x56: {  	p0 =	sne.s32 s1, $0x0;
	_ =	strace $0x9000004A  }
0x57: {  	s0 =	sadd.s32 @!p0 $0x100000, s0;
	[bflag:$0x2] =	sbarrier.arrive $0xFFFF  }
0x58: {  	[sflag:s0] =	ssyncadd.tile.s32 @!p0 $0x1;
	_ =	shalt  }
.Lfunc_end2:
_tile_overlayer_lowered:
.L_overlay_start_2:
0x59: {  	(tag) =	ssettag $0x2  }
0x5a: {  	s0 =	rddreg [dreg:$0x0];
	s2 =	stileid.u32  }
0x5b: {  	s1 =	rddreg [dreg:$0x1];
	p0 =	sne.s32 s2, $0x0  }
0x5c: {  	s3 =	rddreg [dreg:$0x2];
	[bflag:$0x3] =	sbarrier.arrive $0xFFFF;
	s2 =	simm.s32 @!p0 $0x1C05  }
0x5d: {  	[timem:s3], [sflag:s2] =	dma.local @!p0 [hbm:s0], s1  }
0x5e: {  	s0 =	simm.s32 @!p0 $0x5  }
0x5f: {  	_ =	swait.ge @!p0 [sflag:s0], s1  }
0x60: {  	s1 =	ssub.s32 @!p0 $0x0, s1;
	[sflag:s0] =	ssyncset.done @!p0 $0x0  }
0x61: {  	[sflag:s0] =	ssyncadd.s32 @!p0 s1  }
0x62: {  	[bflag:$0x3] =	sbarrier.arrive $0xFFFF  }
0x63: {  	_ =	shalt  }

// kernel: kernel.16.cloned.1.call-start
scs
__scs_entry_jumppad:
0x0: {  	(pc) =	sbr.rel $0x88, $3  }
0x1: {  	(tag) =	ssettag $0x0;
	lr =	simm.s32 $0x1  }
0x2: {  	[smem:$0x3F99] =	sst lr;
	_ =	strace $0xD0000000  }
0x3: {  	_ = 	snop  }
0x4: {  	_ = 	snop  }
0x5: {  	_ = 	snop  }
0x6: {  	_ = 	snop  }
0x7: {  	_ = 	snop  }
__scs_overlays_trampoline_lowered:
0x8: {  	[smem:$0x3FA8] =	sst s0  }
0x9: {  	[smem:$0x3FA9] =	sst s1  }
0xa: {  	[smem:$0x3FAA] =	sst s2  }
0xb: {  	[smem:$0x3FAB] =	sst s3  }
0xc: {  	[smem:$0x3FAC] =	sst s4  }
0xd: {  	[smem:$0x3FAD] =	sst s5  }
0xe: {  	[smem:$0x3FAE] =	sst s6  }
0xf: {  	[smem:$0x3FAF] =	sst s7  }
0x10: {  	[smem:$0x3FB0] =	sst s8  }
0x11: {  	[smem:$0x3FB1] =	sst s9;
	s0 =	simm.s32 @!p0 $0x0  }
0x12: {  	s1 =	sld [smem:$0x3F97];
	s0 =	simm.s32 @p0 $0x1  }
0x13: {  	[smem:$0x3FB2] =	sst s0;
	s0 =	simm.s32 @!p1 $0x0  }
0x14: {  	s2 =	sld [smem:$0x3F96];
	s0 =	simm.s32 @p1 $0x1  }
0x15: {  	[smem:$0x3FB3] =	sst s0;
	s0 =	simm.s32 @!p2 $0x0  }
0x16: {  	s3 =	sld [smem:$0x3FDB];
	s0 =	simm.s32 @p2 $0x1  }
0x17: {  	s4 =	simm.s32 $0x1BF5;
	[smem:$0x3FB5] =	sst s0  }
0x18: {  	s0 =	sld [smem:$0x3F98];
	_ =	swait.ge [sflag:s4], $0x0  }
0x19: {  	s7 =	sld [smem:$0x3F99]  }
0x1a: {  	s8 =	sadd.s32 $0xFFFFE003, lr  }
0x1b: {  	s9 =	sadd.s32 $0xFFFFFEF7, lr;
	s5 =	simm.s32 $0xFFFFFFFF;
	p2 =	slt.u32 s8, $0xFFFFF086  }
0x1c: {  	p1 =	slt.u32 s9, $0xF7A;
	s5 =	simm.s32 @!p2 $0x0  }
0x1d: {  	s5 =	simm.s32 @p1 $0x1;
	p0 =	seq.s32 s7, s2  }
0x1e: {  	s7 =	smul.u32 @!p0 $0xF7A, s2;
	p2 =	seq.s32 @!p0 s5, $0x0  }
0x1f: {  	s9 =	smul.u32 $0xF7A, s1;
	s8 =	simm.s32 @!p0 $0x1BF5;
	p2 =	por !p2, p0  }
0x20: {  	[sflag:s8] =	ssyncset.s32 @!p0 $0xFFFFF086;
	s6 =	sadd.s32 @!p0 s3, s7;
	s7 =	simm.s32 @!p0 $0x108  }
0x21: {  	s3 =	sadd.s32 s3, s9;
	s6 =	sadd.s32 @!p0 $0x88, s6;
	s7 =	simm.s32 @p2 $0x1082  }
0x22: {  	[simem:s7], [sflag:s8] =	dma.local @!p0 [hbm:s6], $0xF7A  }
0x23: {  	s9 =	sor.u32 $0xD0000000, s2;
	s6 =	simm.s32 $0x108;
	_ =	swait.ge @!p0 [sflag:s8], $0x0  }
0x24: {  	s3 =	sadd.s32 $0x88, s3;
	s6 =	simm.s32 @!p1 $0x1082;
	[sflag:s4] =	ssyncset.s32 $0xFFFFF086  }
0x25: {  	[simem:s6], [sflag:s4] =	dma.local [hbm:s3], $0xF7A  }
0x26: {  	[smem:$0x3F99] =	sst s1;
	(tag) =	ssettag s2;
	_ =	strace s9  }
0x27: {  	s1 =	sld [smem:$0x3FA9]  }
0x28: {  	s2 =	sld [smem:$0x3FAA]  }
0x29: {  	s4 =	sld [smem:$0x3FAC]  }
0x2a: {  	p0 =	seq.s32 s5, $0x0;
	s5 =	sld [smem:$0x3FAD]  }
0x2b: {  	s6 =	sld [smem:$0x3FAE]  }
0x2c: {  	s7 =	sld [smem:$0x3FAF]  }
0x2d: {  	s3 =	simm.s32 $0x108;
	s8 =	sld [smem:$0x3FB0]  }
0x2e: {  	s3 =	simm.s32 @!p0 $0x1082;
	s9 =	sld [smem:$0x3FB1]  }
0x2f: {  	lr =	sadd.s32 s0, s3;
	s0 =	sld [smem:$0x3FA8]  }
0x30: {  	s3 =	sld [smem:$0x3FAB]  }
0x31: {  	[smem:$0x3FB4] =	sst s10  }
0x32: {  	s10 =	sld [smem:$0x3FB2];
	_ =	sdelay $0x3  }
0x33: {  	p0 =	seq.s32 s10, $0x1;
	s10 =	sld [smem:$0x3FB4];
	_ =	sdelay $0x3  }
0x34: {  	[smem:$0x3FB4] =	sst s10  }
0x35: {  	s10 =	sld [smem:$0x3FB3];
	_ =	sdelay $0x3  }
0x36: {  	p1 =	seq.s32 s10, $0x1;
	s10 =	sld [smem:$0x3FB4];
	_ =	sdelay $0x3  }
0x37: {  	[smem:$0x3FB4] =	sst s10  }
0x38: {  	s10 =	sld [smem:$0x3FB5]  }
0x39: {  	_ = 	snop;
	(pc) =	sbr.ind lr, $3  }
0x3a: {  	_ = 	snop  }
0x3b: {  	_ = 	snop  }
0x3c: {  	p2 =	seq.s32 s10, $0x1;
	s10 =	sld [smem:$0x3FB4]  }
0x3d: {  	_ =	shalt  }
0x3e: {  	_ =	shalt  }
0x3f: {  	_ =	shalt  }
0x40: {  	_ =	shalt  }
0x41: {  	_ =	shalt  }
0x42: {  	_ =	shalt  }
0x43: {  	_ =	shalt  }
0x44: {  	_ =	shalt  }
0x45: {  	_ =	shalt  }
0x46: {  	_ =	shalt  }
0x47: {  	_ =	shalt  }
0x48: {  	_ =	shalt  }
0x49: {  	_ =	shalt  }
0x4a: {  	_ =	shalt  }
0x4b: {  	_ =	shalt  }
0x4c: {  	_ =	shalt  }
0x4d: {  	_ =	shalt  }
0x4e: {  	_ =	shalt  }
0x4f: {  	_ =	shalt  }
0x50: {  	_ =	shalt  }
0x51: {  	_ =	shalt  }
0x52: {  	_ =	shalt  }
0x53: {  	_ =	shalt  }
0x54: {  	_ =	shalt  }
0x55: {  	_ =	shalt  }
0x56: {  	_ =	shalt  }
0x57: {  	_ =	shalt  }
0x58: {  	_ =	shalt  }
0x59: {  	_ =	shalt  }
0x5a: {  	_ =	shalt  }
0x5b: {  	_ =	shalt  }
0x5c: {  	_ =	shalt  }
0x5d: {  	_ =	shalt  }
0x5e: {  	_ =	shalt  }
0x5f: {  	_ =	shalt  }
0x60: {  	_ =	shalt  }
0x61: {  	_ =	shalt  }
0x62: {  	_ =	shalt  }
0x63: {  	_ =	shalt  }
0x64: {  	_ =	shalt  }
0x65: {  	_ =	shalt  }
0x66: {  	_ =	shalt  }
0x67: {  	_ =	shalt  }
0x68: {  	_ =	shalt  }
0x69: {  	_ =	shalt  }
0x6a: {  	_ =	shalt  }
0x6b: {  	_ =	shalt  }
0x6c: {  	_ =	shalt  }
0x6d: {  	_ =	shalt  }
0x6e: {  	_ =	shalt  }
0x6f: {  	_ =	shalt  }
0x70: {  	_ =	shalt  }
0x71: {  	_ =	shalt  }
0x72: {  	_ =	shalt  }
0x73: {  	_ =	shalt  }
0x74: {  	_ =	shalt  }
0x75: {  	_ =	shalt  }
0x76: {  	_ =	shalt  }
0x77: {  	_ =	shalt  }
0x78: {  	_ =	shalt  }
0x79: {  	_ =	shalt  }
0x7a: {  	_ =	shalt  }
0x7b: {  	_ =	shalt  }
0x7c: {  	_ =	shalt  }
0x7d: {  	_ =	shalt  }
0x7e: {  	_ =	shalt  }
0x7f: {  	_ =	shalt  }
0x80: {  	_ =	shalt  }
0x81: {  	_ =	shalt  }
0x82: {  	_ =	shalt  }
0x83: {  	_ =	shalt  }
0x84: {  	_ =	shalt  }
0x85: {  	_ =	shalt  }
0x86: {  	_ =	shalt  }
0x87: {  	_ =	shalt  }
.Lfunc_end0:
.L_simem_size_0:
called_computation.2_lowered:
.L_overlay_start_0:
0x88: {  	s0 =	sld [smem:$0x3FD9]  }
0x89: {  	s1 =	sld [smem:$0x3FFE];
	_ =	sdelay $0x3  }
0x8a: {  	s0 =	sadd.s32 s1, s0  }
0x8b: {  	[smem:$0x3FC0] =	sst s0  }
0x8c: {  	_ = 	snop  }
0x8d: {  	s0 =	sld [smem:$0x3FD0];
	(tm) =	ssettm $0x1  }
0x8e: {  	s16 =	sld [smem:$0x3FFB];
	_ =	sdelay $0x3  }
0x8f: {  	_ =	strace s16  }
0x90: {  	s1 =	sld [smem:$0x3FFC];
	_ =	sdelay $0x3  }
0x91: {  	_ =	strace s1  }
0x92: {  	s1 =	sld [smem:$0x3FFD];
	_ =	sdelay $0x3  }
0x93: {  	_ =	strace s1  }
0x94: {  	_ =	strace $0x8FFFFFFF  }
0x95: {  	s17 =	sld [smem:$0x3FDB];
	_ =	sdelay $0x1  }
0x96: {  	s2 =	simm.s32 $_scs_section_size  }
0x97: {  	s3 =	simm.s32 $_size__tile_overlayer_lowered;
	s4 =	simm.s32 $_tile_overlayer_lowered  }
0x98: {  	s20 =	simm.s32 $0x1BFF;
	s19 =	sshll.u32 s4, $0x1;
	s1 =	sadd.s32 s2, s17  }
0x99: {  	s5 =	simm.s32 $0x0;
	s18 =	sshll.u32 s3, $0x1;
	s3 =	sadd.s32 s19, s1  }
0x9a: {  	[timem:s5], [sflag:s20] =	dma.local [hbm:s3], s18  }
0x9b: {  	_ =	swait.ge [sflag:s20], s18  }
0x9c: {  	s2 =	ssub.s32 $0x0, s18;
	[sflag:s20] =	ssyncset.done $0x0  }
0x9d: {  	[sflag:s20] =	ssyncadd.s32 s2;
	_ =	sdelay $0x1  }
0x9e: {  	s21 =	simm.s32 $0x1B8B  }
0x9f: {  	_ =	swait.ge [sflag:s21], $0x1  }
0xa0: {  	[sflag:s21] =	ssyncset.done $0x0  }
0xa1: {  	s23 =	simm.s32 $0x1B8E;
	s22 =	sld [smem:$0x3FFE];
	[sflag:s21] =	ssyncadd.s32 $0xFFFFFFFF  }
0xa2: {  	s24 =	simm.s32 $execute0_lowered;
	[smem:$0x3FD2] =	sst s23  }
0xa3: {  	s3 =	sshll.u32 s24, $0x1;
	_ =	strace $0x8000004C;
	[dreg:$0x1] =	wrdreg $0xFFFFFFFF  }
0xa4: {  	s25 =	simm.s32 $_size_execute0_lowered;
	s1 =	sadd.s32 s1, s3;
	[dreg:$0x0] =	wrdreg $0x0  }
0xa5: {  	s3 =	sshll.u32 s25, $0x1;
	[dreg:$0x2] =	wrdreg s1  }
0xa6: {  	[dreg:$0x3] =	wrdreg s3  }
0xa7: {  	[dreg:$0x4] =	wrdreg $0xC0  }
0xa8: {  	_ =	task [dreg:s5], $0x5FFFF  }
0xa9: {  	[dreg:$0x1] =	wrdreg $0xFFFFFFFF  }
0xaa: {  	[dreg:$0x0] =	wrdreg $0x60  }
0xab: {  	[dreg:$0x2] =	wrdreg s22  }
0xac: {  	[dreg:$0x3] =	wrdreg s0  }
0xad: {  	[dreg:$0x4] =	wrdreg $0xA0000  }
0xae: {  	[dreg:$0x5] =	wrdreg $0x9  }
0xaf: {  	_ =	task.clear_ibuf [dreg:s5], $0x6FFFF;
	_ =	strace $0x9000004C  }
0xb0: {  	s26 =	simm.s32 $0x9;
	_ =	strace $0x8000004E  }
0xb1: {  	_ =	swait.ge [sflag:s26], $0x1  }
0xb2: {  	[sflag:s26] =	ssyncadd.s32 $0xFFFFFFFF  }
0xb3: {  	_ =	strace $0x9000004E  }
0xb4: {  	_ =	sfence  }
0xb5: {  	s28 =	sld [smem:$0x0];
	_ =	sdelay $0x1  }
0xb6: {  	s29 =	srdreg.scid  }
0xb7: {  	s30 =	sshll.u32 s29, $0xD;
	s31 =	sshrl.u32 s29, $0x2  }
0xb8: {  	s2 =	sand.u32 $0x4000, s30;
	s1 =	sand.u32 $0x1, s29;
	s0 =	sadd.s32 s31, s28  }
0xb9: {  	s1 =	sor.u32 s2, s1;
	s0 =	sshll.u32 s0, $0x11  }
0xba: {  	s0 =	sor.u32 s0, s1  }
0xbb: {  	s0 =	sadd.s32 $0x8F2B, s0  }
0xbc: {  	[sflag:s0] =	ssyncadd.remote.s32 $0x1  }
0xbd: {  	_ =	sfence.sel $0xFFFF  }
0xbe: {  	[dreg:$0x0] =	wrdreg $0xFFFFFFFF;
	(pc) =	sbr.abs _section_cstart, $3  }
0xbf: {  	[dreg:$0x1] =	wrdreg $0xFFFFFFFF  }
0xc0: {  	_ =	task.clear_ibuf [dreg:s5], $0x2FFFF;
	_ =	strace $0x9FFFFFFF  }
0xc1: {  	(tm) =	ssettm $0x7FFFFFFF  }
tec
execute0_lowered:
.L_overlay_start_1:
0x0: {  	(tag) =	ssettag $0x1  }
0x1: {  	s10 =	rddreg [dreg:$0x0]  }
0x2: {  	s2 =	rddreg [dreg:$0x1]  }
0x3: {  	s3 =	rddreg [dreg:$0x2]  }
0x4: {  	s1 =	stileid.u32;
	s0 =	rddreg [dreg:$0x3];
	s4 =	simm.s32 $0x0  }
0x5: {  	s13 =	simm.s32 $0x1000;
	s14 =	simm.s32 $0x80;
	s6 =	smul.u32 $0x50000, s1  }
0x6: {  	s15 =	simm.s32 $0x2000;
	s16 =	simm.s32 $0x6000;
	s5 =	smul.u32 $0x2800, s1  }
0x7: {  	s17 =	simm.s32 $0x1;
	s18 =	simm.s32 $0x2;
	[smem:$0x7FF] =	sst s4  }
0x8: {  	s31 =	sshll.u32 s1, $0x6;
	s6 =	sshrl.u32 s6, $0x2;
	s7 =	sadd.s32 s5, s10  }
0x9: {  	_ =	strace $0x8000004D;
	s8 =	sadd.s32 s6, s3;
	s9 =	sadd.s32 $0x48C00, s7  }
0xa: {  	s6 =	sor.u32 $0x1C05, s31;
	s7 =	sshrl.u32 s8, $0x3;
	s8 =	simm.s32 $0x5  }
0xb: {  	[spmem:s7], [sflag:s6] =	dma.local [hbm:s9], $0x2800  }
0xc: {  	s19 =	simm.s32 $0x1080;
	s20 =	simm.s32 $0x3;
	_ =	swait.ge [sflag:s8], $0x2800  }
0xd: {  	s21 =	simm.s32 $0x4;
	s22 =	simm.s32 $0x0;
	[sflag:s8] =	ssyncset.done $0x0  }
0xe: {  	s11 =	sadd.s32 $0x17A00, s10;
	s12 =	smul.u32 $0x5000, s1;
	[sflag:s8] =	ssyncadd.s32 $0xFFFFD800  }
0xf: {  	s9 =	sadd.s32 $0x21A00, s10;
	s10 =	sadd.s32 $0x70C00, s10;
	[bflag:$0x0] =	sbarrier.arrive $0xFFFF  }
.LBB2_1:
0x10: {  	s23 =	sshll.u32 s22, $0xC  }
0x11: {  	s23 =	sadd.s32 s12, s23  }
0x12: {  	s23 =	sshrl.u32 s23, $0x3  }
0x13: {  	s24 =	sadd.s32 s2, s23  }
0x14: {  	[tilespmem:s4], [sflag:$0x5] =	stream.linear.gather [hbm4b:s24+s4], $0x1000, $0x38;
	[tilespmem:$0x1E000] =	vst v63  }
0x15: {  	_ =	swait.ge [sflag:s8], $0x1000  }
0x16: {  	[sflag:s8] =	ssyncset.done $0x0  }
0x17: {  	s23 =	sadd.s32 s11, s23;
	[sflag:s8] =	ssyncadd.s32 $0xFFFFF000  }
0x18: {  	[tilespmem:s13], [sflag:$0x5] =	stream.linear.gather [hbm4b:s23+s4], $0x1000, $0x38;
	[tilespmem:$0x1E000] =	vst v63  }
0x19: {  	_ =	swait.ge [sflag:s8], $0x1000  }
0x1a: {  	[sflag:s8] =	ssyncset.done $0x0  }
0x1b: {  	[sflag:s8] =	ssyncadd.s32 $0xFFFFF000  }
0x1c: {  	[tilespmem:s15], [sflag:$0x1] =	stream.indirect.gather [hbm4b:s9+s14], $0x80, s4, s14, $0xb8;
	[tilespmem:$0x1E000] =	vst v63  }
0x1d: {  	_ = 	snop  }
0x1e: {  	[tilespmem:s16], [sflag:$0x2] =	stream.indirect.gather [hbm4b:s9+s14], $0x80, s14, s14, $0xb8;
	[tilespmem:$0x1E000] =	vst v63  }
0x1f: {  	_ =	swait.ge [sflag:s17], $0x4000  }
0x20: {  	[sflag:s17] =	ssyncset.done $0x0  }
0x21: {  	[sflag:s17] =	ssyncadd.s32 $0xFFFFC000  }
0x22: {  	[spmem:s3] =	stream.indirect.scatter.add.f32 [tilespmem:s15], [sflag:$0x3], $0x80, s13, s14, $0xb8;
	[tilespmem:$0x1E000] =	vst v63  }
0x23: {  	_ =	swait.ge [sflag:s18], $0x4000  }
0x24: {  	[sflag:s18] =	ssyncset.done $0x0  }
0x25: {  	[sflag:s18] =	ssyncadd.s32 $0xFFFFC000  }
0x26: {  	[spmem:s3] =	stream.indirect.scatter.add.f32 [tilespmem:s16], [sflag:$0x4], $0x80, s19, s14, $0xb8;
	[tilespmem:$0x1E000] =	vst v63  }
0x27: {  	_ =	swait.ge [sflag:s20], $0x4000  }
0x28: {  	[sflag:s20] =	ssyncset.done $0x0  }
0x29: {  	s29 =	simm.s32 $0x100;
	[sflag:s20] =	ssyncadd.s32 $0xFFFFC000  }
0x2a: {  	[tilespmem:s15], [sflag:$0x1] =	stream.indirect.gather [hbm4b:s9+s14], $0x80, s29, s14, $0xb8;
	[tilespmem:$0x1E000] =	vst v63  }
0x2b: {  	_ =	swait.ge [sflag:s21], $0x4000  }
0x2c: {  	[sflag:s21] =	ssyncset.done $0x0  }
0x2d: {  	s30 =	simm.s32 $0x180;
	[sflag:s21] =	ssyncadd.s32 $0xFFFFC000  }
0x2e: {  	[tilespmem:s16], [sflag:$0x2] =	stream.indirect.gather [hbm4b:s9+s14], $0x80, s30, s14, $0xb8;
	[tilespmem:$0x1E000] =	vst v63  }
0x2f: {  	_ =	swait.ge [sflag:s17], $0x4000  }
0x30: {  	[sflag:s17] =	ssyncset.done $0x0  }
0x31: {  	s31 =	simm.s32 $0x1100;
	[sflag:s17] =	ssyncadd.s32 $0xFFFFC000  }
0x32: {  	[spmem:s3] =	stream.indirect.scatter.add.f32 [tilespmem:s15], [sflag:$0x3], $0x80, s31, s14, $0xb8;
	[tilespmem:$0x1E000] =	vst v63  }
0x33: {  	_ =	swait.ge [sflag:s18], $0x4000  }
0x34: {  	[sflag:s18] =	ssyncset.done $0x0  }
0x35: {  	s24 =	simm.s32 $0x1180;
	s23 =	simm.s32 $0xFFFFC800;
	[sflag:s18] =	ssyncadd.s32 $0xFFFFC000  }
.LBB2_2:
0x36: {  	[spmem:s3] =	stream.indirect.scatter.add.f32 [tilespmem:s16], [sflag:$0x4], $0x80, s24, s14, $0xb8;
	[tilespmem:$0x1E000] =	vst v63  }
0x37: {  	s24 =	smov.u32 s23  }
0x38: {  	p0 =	sne.s32 s23, $0xFFFFFC00;
	s23 =	sadd.s32 $0x400, s23;
	_ =	swait.ge [sflag:s20], $0x4000  }
0x39: {  	s24 =	sshra.s32 s24, $0x2;
	[sflag:s20] =	ssyncset.done $0x0  }
0x3a: {  	s25 =	sadd.s32 $0x1000, s24;
	[sflag:s20] =	ssyncadd.s32 $0xFFFFC000  }
0x3b: {  	[tilespmem:s15], [sflag:$0x1] =	stream.indirect.gather [hbm4b:s9+s14], $0x80, s25, s14, $0xb8;
	[tilespmem:$0x1E000] =	vst v63  }
0x3c: {  	_ =	swait.ge [sflag:s21], $0x4000  }
0x3d: {  	[sflag:s21] =	ssyncset.done $0x0  }
0x3e: {  	s25 =	sadd.s32 $0x1080, s24;
	[sflag:s21] =	ssyncadd.s32 $0xFFFFC000  }
0x3f: {  	[tilespmem:s16], [sflag:$0x2] =	stream.indirect.gather [hbm4b:s9+s14], $0x80, s25, s14, $0xb8;
	[tilespmem:$0x1E000] =	vst v63  }
0x40: {  	_ =	swait.ge [sflag:s17], $0x4000  }
0x41: {  	[sflag:s17] =	ssyncset.done $0x0  }
.Ltmp0:
0x42: {  	s25 =	sadd.s32 $0x2000, s24;
	[sflag:s17] =	ssyncadd.s32 $0xFFFFC000;
	(pc) =	sbr.rel @p0 .LBB2_2-.Ltmp0, $4  }
0x43: {  	[spmem:s3] =	stream.indirect.scatter.add.f32 [tilespmem:s15], [sflag:$0x3], $0x80, s25, s14, $0xb8;
	[tilespmem:$0x1E000] =	vst v63  }
0x44: {  	_ =	swait.ge [sflag:s18], $0x4000  }
0x45: {  	[sflag:s18] =	ssyncset.done $0x0  }
0x46: {  	s24 =	sadd.s32 $0x2080, s24;
	[sflag:s18] =	ssyncadd.s32 $0xFFFFC000  }
0x47: {  	[spmem:s3] =	stream.indirect.scatter.add.f32 [tilespmem:s16], [sflag:$0x4], $0x80, s24, s14, $0xb8;
	[tilespmem:$0x1E000] =	vst v63  }
0x48: {  	s22 =	sadd.s32 $0x1, s22  }
0x49: {  	_ =	swait.ge [sflag:s20], $0x4000;
	p0 =	sne.s32 s22, $0x5  }
.Ltmp1:
0x4a: {  	[sflag:s20] =	ssyncset.done $0x0;
	(pc) =	sbr.rel @p0 .LBB2_1-.Ltmp1, $4  }
0x4b: {  	[sflag:s20] =	ssyncadd.s32 $0xFFFFC000  }
0x4c: {  	_ =	swait.ge [sflag:s21], $0x4000  }
0x4d: {  	[sflag:s21] =	ssyncset.done $0x0  }
0x4e: {  	[sflag:s21] =	ssyncadd.s32 $0xFFFFC000  }
0x4f: {  	s2 =	sadd.s32 s10, s5;
	[bflag:$0x0] =	sbarrier.arrive $0xFFFF;
	s31 =	simm.s32 $0x5  }
0x50: {  	[hbm:s2], [sflag:s6] =	dma.local [spmem:s7], $0x2800  }
0x51: {  	_ =	swait.ge [sflag:s31], $0x2800  }
0x52: {  	[sflag:s31] =	ssyncset.done $0x0  }
0x53: {  	[sflag:s31] =	ssyncadd.s32 $0xFFFFD800  }
0x54: {  	_ =	sfence.sel $0x180000  }
0x55: {  	[bflag:$0x0] =	sbarrier.arrive $0xFFFF  }
0x56: {  	p0 =	sne.s32 s1, $0x0;
	_ =	strace $0x9000004D  }
0x57: {  	s0 =	sadd.s32 @!p0 $0x100000, s0;
	[bflag:$0x2] =	sbarrier.arrive $0xFFFF  }
0x58: {  	[sflag:s0] =	ssyncadd.tile.s32 @!p0 $0x1;
	_ =	shalt  }
.Lfunc_end2:
_tile_overlayer_lowered:
.L_overlay_start_2:
0x59: {  	(tag) =	ssettag $0x2  }
0x5a: {  	s0 =	rddreg [dreg:$0x0];
	s2 =	stileid.u32  }
0x5b: {  	s1 =	rddreg [dreg:$0x1];
	p0 =	sne.s32 s2, $0x0  }
0x5c: {  	s3 =	rddreg [dreg:$0x2];
	[bflag:$0x3] =	sbarrier.arrive $0xFFFF;
	s2 =	simm.s32 @!p0 $0x1C05  }
0x5d: {  	[timem:s3], [sflag:s2] =	dma.local @!p0 [hbm:s0], s1  }
0x5e: {  	s0 =	simm.s32 @!p0 $0x5  }
0x5f: {  	_ =	swait.ge @!p0 [sflag:s0], s1  }
0x60: {  	s1 =	ssub.s32 @!p0 $0x0, s1;
	[sflag:s0] =	ssyncset.done @!p0 $0x0  }
0x61: {  	[sflag:s0] =	ssyncadd.s32 @!p0 s1  }
0x62: {  	[bflag:$0x3] =	sbarrier.arrive $0xFFFF  }
0x63: {  	_ =	shalt  }

// kernel: kernel.19.cloned.1.call-start
scs
__scs_entry_jumppad:
0x0: {  	(pc) =	sbr.rel $0x88, $3  }
0x1: {  	(tag) =	ssettag $0x0;
	lr =	simm.s32 $0x1  }
0x2: {  	[smem:$0x3F99] =	sst lr;
	_ =	strace $0xD0000000  }
0x3: {  	_ = 	snop  }
0x4: {  	_ = 	snop  }
0x5: {  	_ = 	snop  }
0x6: {  	_ = 	snop  }
0x7: {  	_ = 	snop  }
__scs_overlays_trampoline_lowered:
0x8: {  	[smem:$0x3FA8] =	sst s0  }
0x9: {  	[smem:$0x3FA9] =	sst s1  }
0xa: {  	[smem:$0x3FAA] =	sst s2  }
0xb: {  	[smem:$0x3FAB] =	sst s3  }
0xc: {  	[smem:$0x3FAC] =	sst s4  }
0xd: {  	[smem:$0x3FAD] =	sst s5  }
0xe: {  	[smem:$0x3FAE] =	sst s6  }
0xf: {  	[smem:$0x3FAF] =	sst s7  }
0x10: {  	[smem:$0x3FB0] =	sst s8  }
0x11: {  	[smem:$0x3FB1] =	sst s9;
	s0 =	simm.s32 @!p0 $0x0  }
0x12: {  	s1 =	sld [smem:$0x3F97];
	s0 =	simm.s32 @p0 $0x1  }
0x13: {  	[smem:$0x3FB2] =	sst s0;
	s0 =	simm.s32 @!p1 $0x0  }
0x14: {  	s2 =	sld [smem:$0x3F96];
	s0 =	simm.s32 @p1 $0x1  }
0x15: {  	[smem:$0x3FB3] =	sst s0;
	s0 =	simm.s32 @!p2 $0x0  }
0x16: {  	s3 =	sld [smem:$0x3FDB];
	s0 =	simm.s32 @p2 $0x1  }
0x17: {  	s4 =	simm.s32 $0x1BF5;
	[smem:$0x3FB5] =	sst s0  }
0x18: {  	s0 =	sld [smem:$0x3F98];
	_ =	swait.ge [sflag:s4], $0x0  }
0x19: {  	s7 =	sld [smem:$0x3F99]  }
0x1a: {  	s8 =	sadd.s32 $0xFFFFE003, lr  }
0x1b: {  	s9 =	sadd.s32 $0xFFFFFEF7, lr;
	s5 =	simm.s32 $0xFFFFFFFF;
	p2 =	slt.u32 s8, $0xFFFFF086  }
0x1c: {  	p1 =	slt.u32 s9, $0xF7A;
	s5 =	simm.s32 @!p2 $0x0  }
0x1d: {  	s5 =	simm.s32 @p1 $0x1;
	p0 =	seq.s32 s7, s2  }
0x1e: {  	s7 =	smul.u32 @!p0 $0xF7A, s2;
	p2 =	seq.s32 @!p0 s5, $0x0  }
0x1f: {  	s9 =	smul.u32 $0xF7A, s1;
	s8 =	simm.s32 @!p0 $0x1BF5;
	p2 =	por !p2, p0  }
0x20: {  	[sflag:s8] =	ssyncset.s32 @!p0 $0xFFFFF086;
	s6 =	sadd.s32 @!p0 s3, s7;
	s7 =	simm.s32 @!p0 $0x108  }
0x21: {  	s3 =	sadd.s32 s3, s9;
	s6 =	sadd.s32 @!p0 $0x88, s6;
	s7 =	simm.s32 @p2 $0x1082  }
0x22: {  	[simem:s7], [sflag:s8] =	dma.local @!p0 [hbm:s6], $0xF7A  }
0x23: {  	s9 =	sor.u32 $0xD0000000, s2;
	s6 =	simm.s32 $0x108;
	_ =	swait.ge @!p0 [sflag:s8], $0x0  }
0x24: {  	s3 =	sadd.s32 $0x88, s3;
	s6 =	simm.s32 @!p1 $0x1082;
	[sflag:s4] =	ssyncset.s32 $0xFFFFF086  }
0x25: {  	[simem:s6], [sflag:s4] =	dma.local [hbm:s3], $0xF7A  }
0x26: {  	[smem:$0x3F99] =	sst s1;
	(tag) =	ssettag s2;
	_ =	strace s9  }
0x27: {  	s1 =	sld [smem:$0x3FA9]  }
0x28: {  	s2 =	sld [smem:$0x3FAA]  }
0x29: {  	s4 =	sld [smem:$0x3FAC]  }
0x2a: {  	p0 =	seq.s32 s5, $0x0;
	s5 =	sld [smem:$0x3FAD]  }
0x2b: {  	s6 =	sld [smem:$0x3FAE]  }
0x2c: {  	s7 =	sld [smem:$0x3FAF]  }
0x2d: {  	s3 =	simm.s32 $0x108;
	s8 =	sld [smem:$0x3FB0]  }
0x2e: {  	s3 =	simm.s32 @!p0 $0x1082;
	s9 =	sld [smem:$0x3FB1]  }
0x2f: {  	lr =	sadd.s32 s0, s3;
	s0 =	sld [smem:$0x3FA8]  }
0x30: {  	s3 =	sld [smem:$0x3FAB]  }
0x31: {  	[smem:$0x3FB4] =	sst s10  }
0x32: {  	s10 =	sld [smem:$0x3FB2];
	_ =	sdelay $0x3  }
0x33: {  	p0 =	seq.s32 s10, $0x1;
	s10 =	sld [smem:$0x3FB4];
	_ =	sdelay $0x3  }
0x34: {  	[smem:$0x3FB4] =	sst s10  }
0x35: {  	s10 =	sld [smem:$0x3FB3];
	_ =	sdelay $0x3  }
0x36: {  	p1 =	seq.s32 s10, $0x1;
	s10 =	sld [smem:$0x3FB4];
	_ =	sdelay $0x3  }
0x37: {  	[smem:$0x3FB4] =	sst s10  }
0x38: {  	s10 =	sld [smem:$0x3FB5]  }
0x39: {  	_ = 	snop;
	(pc) =	sbr.ind lr, $3  }
0x3a: {  	_ = 	snop  }
0x3b: {  	_ = 	snop  }
0x3c: {  	p2 =	seq.s32 s10, $0x1;
	s10 =	sld [smem:$0x3FB4]  }
0x3d: {  	_ =	shalt  }
0x3e: {  	_ =	shalt  }
0x3f: {  	_ =	shalt  }
0x40: {  	_ =	shalt  }
0x41: {  	_ =	shalt  }
0x42: {  	_ =	shalt  }
0x43: {  	_ =	shalt  }
0x44: {  	_ =	shalt  }
0x45: {  	_ =	shalt  }
0x46: {  	_ =	shalt  }
0x47: {  	_ =	shalt  }
0x48: {  	_ =	shalt  }
0x49: {  	_ =	shalt  }
0x4a: {  	_ =	shalt  }
0x4b: {  	_ =	shalt  }
0x4c: {  	_ =	shalt  }
0x4d: {  	_ =	shalt  }
0x4e: {  	_ =	shalt  }
0x4f: {  	_ =	shalt  }
0x50: {  	_ =	shalt  }
0x51: {  	_ =	shalt  }
0x52: {  	_ =	shalt  }
0x53: {  	_ =	shalt  }
0x54: {  	_ =	shalt  }
0x55: {  	_ =	shalt  }
0x56: {  	_ =	shalt  }
0x57: {  	_ =	shalt  }
0x58: {  	_ =	shalt  }
0x59: {  	_ =	shalt  }
0x5a: {  	_ =	shalt  }
0x5b: {  	_ =	shalt  }
0x5c: {  	_ =	shalt  }
0x5d: {  	_ =	shalt  }
0x5e: {  	_ =	shalt  }
0x5f: {  	_ =	shalt  }
0x60: {  	_ =	shalt  }
0x61: {  	_ =	shalt  }
0x62: {  	_ =	shalt  }
0x63: {  	_ =	shalt  }
0x64: {  	_ =	shalt  }
0x65: {  	_ =	shalt  }
0x66: {  	_ =	shalt  }
0x67: {  	_ =	shalt  }
0x68: {  	_ =	shalt  }
0x69: {  	_ =	shalt  }
0x6a: {  	_ =	shalt  }
0x6b: {  	_ =	shalt  }
0x6c: {  	_ =	shalt  }
0x6d: {  	_ =	shalt  }
0x6e: {  	_ =	shalt  }
0x6f: {  	_ =	shalt  }
0x70: {  	_ =	shalt  }
0x71: {  	_ =	shalt  }
0x72: {  	_ =	shalt  }
0x73: {  	_ =	shalt  }
0x74: {  	_ =	shalt  }
0x75: {  	_ =	shalt  }
0x76: {  	_ =	shalt  }
0x77: {  	_ =	shalt  }
0x78: {  	_ =	shalt  }
0x79: {  	_ =	shalt  }
0x7a: {  	_ =	shalt  }
0x7b: {  	_ =	shalt  }
0x7c: {  	_ =	shalt  }
0x7d: {  	_ =	shalt  }
0x7e: {  	_ =	shalt  }
0x7f: {  	_ =	shalt  }
0x80: {  	_ =	shalt  }
0x81: {  	_ =	shalt  }
0x82: {  	_ =	shalt  }
0x83: {  	_ =	shalt  }
0x84: {  	_ =	shalt  }
0x85: {  	_ =	shalt  }
0x86: {  	_ =	shalt  }
0x87: {  	_ =	shalt  }
.Lfunc_end0:
.L_simem_size_0:
called_computation.3_lowered:
.L_overlay_start_0:
0x88: {  	s0 =	sld [smem:$0x3FD9]  }
0x89: {  	s1 =	sld [smem:$0x3FFE];
	_ =	sdelay $0x3  }
0x8a: {  	s0 =	sadd.s32 s1, s0  }
0x8b: {  	[smem:$0x3FC0] =	sst s0  }
0x8c: {  	_ = 	snop  }
0x8d: {  	s0 =	sld [smem:$0x3FD0];
	(tm) =	ssettm $0x1  }
0x8e: {  	s16 =	sld [smem:$0x3FFB];
	_ =	sdelay $0x3  }
0x8f: {  	_ =	strace s16  }
0x90: {  	s1 =	sld [smem:$0x3FFC];
	_ =	sdelay $0x3  }
0x91: {  	_ =	strace s1  }
0x92: {  	s1 =	sld [smem:$0x3FFD];
	_ =	sdelay $0x3  }
0x93: {  	_ =	strace s1  }
0x94: {  	_ =	strace $0x8FFFFFFF  }
0x95: {  	s17 =	sld [smem:$0x3FDB];
	_ =	sdelay $0x1  }
0x96: {  	s2 =	simm.s32 $_scs_section_size  }
0x97: {  	s3 =	simm.s32 $_size__tile_overlayer_lowered;
	s4 =	simm.s32 $_tile_overlayer_lowered  }
0x98: {  	s20 =	simm.s32 $0x1BFF;
	s19 =	sshll.u32 s4, $0x1;
	s1 =	sadd.s32 s2, s17  }
0x99: {  	s5 =	simm.s32 $0x0;
	s18 =	sshll.u32 s3, $0x1;
	s3 =	sadd.s32 s19, s1  }
0x9a: {  	[timem:s5], [sflag:s20] =	dma.local [hbm:s3], s18  }
0x9b: {  	_ =	swait.ge [sflag:s20], s18  }
0x9c: {  	s2 =	ssub.s32 $0x0, s18;
	[sflag:s20] =	ssyncset.done $0x0  }
0x9d: {  	[sflag:s20] =	ssyncadd.s32 s2;
	_ =	sdelay $0x1  }
0x9e: {  	s21 =	simm.s32 $0x1B8B  }
0x9f: {  	_ =	swait.ge [sflag:s21], $0x1  }
0xa0: {  	[sflag:s21] =	ssyncset.done $0x0  }
0xa1: {  	s23 =	simm.s32 $0x1B8E;
	s22 =	sld [smem:$0x3FFE];
	[sflag:s21] =	ssyncadd.s32 $0xFFFFFFFF  }
0xa2: {  	s24 =	simm.s32 $execute0_lowered;
	[smem:$0x3FD2] =	sst s23  }
0xa3: {  	s3 =	sshll.u32 s24, $0x1;
	_ =	strace $0x8000004F;
	[dreg:$0x1] =	wrdreg $0xFFFFFFFF  }
0xa4: {  	s25 =	simm.s32 $_size_execute0_lowered;
	s1 =	sadd.s32 s1, s3;
	[dreg:$0x0] =	wrdreg $0x0  }
0xa5: {  	s3 =	sshll.u32 s25, $0x1;
	[dreg:$0x2] =	wrdreg s1  }
0xa6: {  	[dreg:$0x3] =	wrdreg s3  }
0xa7: {  	[dreg:$0x4] =	wrdreg $0xC0  }
0xa8: {  	_ =	task [dreg:s5], $0x5FFFF  }
0xa9: {  	[dreg:$0x1] =	wrdreg $0xFFFFFFFF  }
0xaa: {  	[dreg:$0x0] =	wrdreg $0x60  }
0xab: {  	[dreg:$0x2] =	wrdreg s22  }
0xac: {  	[dreg:$0x3] =	wrdreg s0  }
0xad: {  	[dreg:$0x4] =	wrdreg $0xA0000  }
0xae: {  	[dreg:$0x5] =	wrdreg $0x9  }
0xaf: {  	_ =	task.clear_ibuf [dreg:s5], $0x6FFFF;
	_ =	strace $0x9000004F  }
0xb0: {  	s26 =	simm.s32 $0x9;
	_ =	strace $0x80000051  }
0xb1: {  	_ =	swait.ge [sflag:s26], $0x1  }
0xb2: {  	[sflag:s26] =	ssyncadd.s32 $0xFFFFFFFF  }
0xb3: {  	_ =	strace $0x90000051  }
0xb4: {  	_ =	sfence  }
0xb5: {  	s28 =	sld [smem:$0x0];
	_ =	sdelay $0x1  }
0xb6: {  	s29 =	srdreg.scid  }
0xb7: {  	s30 =	sshll.u32 s29, $0xD;
	s31 =	sshrl.u32 s29, $0x2  }
0xb8: {  	s2 =	sand.u32 $0x4000, s30;
	s1 =	sand.u32 $0x1, s29;
	s0 =	sadd.s32 s31, s28  }
0xb9: {  	s1 =	sor.u32 s2, s1;
	s0 =	sshll.u32 s0, $0x11  }
0xba: {  	s0 =	sor.u32 s0, s1  }
0xbb: {  	s0 =	sadd.s32 $0x8F2B, s0  }
0xbc: {  	[sflag:s0] =	ssyncadd.remote.s32 $0x1  }
0xbd: {  	_ =	sfence.sel $0xFFFF  }
0xbe: {  	[dreg:$0x0] =	wrdreg $0xFFFFFFFF;
	(pc) =	sbr.abs _section_cstart, $3  }
0xbf: {  	[dreg:$0x1] =	wrdreg $0xFFFFFFFF  }
0xc0: {  	_ =	task.clear_ibuf [dreg:s5], $0x2FFFF;
	_ =	strace $0x9FFFFFFF  }
0xc1: {  	(tm) =	ssettm $0x7FFFFFFF  }
tec
execute0_lowered:
.L_overlay_start_1:
0x0: {  	(tag) =	ssettag $0x1  }
0x1: {  	s10 =	rddreg [dreg:$0x0]  }
0x2: {  	s2 =	rddreg [dreg:$0x1]  }
0x3: {  	s3 =	rddreg [dreg:$0x2]  }
0x4: {  	s1 =	stileid.u32;
	s0 =	rddreg [dreg:$0x3];
	s4 =	simm.s32 $0x0  }
0x5: {  	s13 =	simm.s32 $0x1000;
	s14 =	simm.s32 $0x80;
	s6 =	smul.u32 $0x50000, s1  }
0x6: {  	s15 =	simm.s32 $0x2000;
	s16 =	simm.s32 $0x6000;
	s5 =	smul.u32 $0x2800, s1  }
0x7: {  	s17 =	simm.s32 $0x1;
	s18 =	simm.s32 $0x2;
	[smem:$0x7FF] =	sst s4  }
0x8: {  	s31 =	sshll.u32 s1, $0x6;
	s6 =	sshrl.u32 s6, $0x2;
	s7 =	sadd.s32 s5, s10  }
0x9: {  	_ =	strace $0x80000050;
	s8 =	sadd.s32 s6, s3;
	s9 =	sadd.s32 $0x48C00, s7  }
0xa: {  	s6 =	sor.u32 $0x1C05, s31;
	s7 =	sshrl.u32 s8, $0x3;
	s8 =	simm.s32 $0x5  }
0xb: {  	[spmem:s7], [sflag:s6] =	dma.local [hbm:s9], $0x2800  }
0xc: {  	s19 =	simm.s32 $0x1080;
	s20 =	simm.s32 $0x3;
	_ =	swait.ge [sflag:s8], $0x2800  }
0xd: {  	s21 =	simm.s32 $0x4;
	s22 =	simm.s32 $0x0;
	[sflag:s8] =	ssyncset.done $0x0  }
0xe: {  	s11 =	sadd.s32 $0x17A00, s10;
	s12 =	smul.u32 $0x5000, s1;
	[sflag:s8] =	ssyncadd.s32 $0xFFFFD800  }
0xf: {  	s9 =	sadd.s32 $0x21A00, s10;
	s10 =	sadd.s32 $0x70C00, s10;
	[bflag:$0x0] =	sbarrier.arrive $0xFFFF  }
.LBB2_1:
0x10: {  	s23 =	sshll.u32 s22, $0xC  }
0x11: {  	s23 =	sadd.s32 s12, s23  }
0x12: {  	s23 =	sshrl.u32 s23, $0x3  }
0x13: {  	s24 =	sadd.s32 s2, s23  }
0x14: {  	[tilespmem:s4], [sflag:$0x5] =	stream.linear.gather [hbm4b:s24+s4], $0x1000, $0x38;
	[tilespmem:$0x1E000] =	vst v63  }
0x15: {  	_ =	swait.ge [sflag:s8], $0x1000  }
0x16: {  	[sflag:s8] =	ssyncset.done $0x0  }
0x17: {  	s23 =	sadd.s32 s11, s23;
	[sflag:s8] =	ssyncadd.s32 $0xFFFFF000  }
0x18: {  	[tilespmem:s13], [sflag:$0x5] =	stream.linear.gather [hbm4b:s23+s4], $0x1000, $0x38;
	[tilespmem:$0x1E000] =	vst v63  }
0x19: {  	_ =	swait.ge [sflag:s8], $0x1000  }
0x1a: {  	[sflag:s8] =	ssyncset.done $0x0  }
0x1b: {  	[sflag:s8] =	ssyncadd.s32 $0xFFFFF000  }
0x1c: {  	[tilespmem:s15], [sflag:$0x1] =	stream.indirect.gather [hbm4b:s9+s14], $0x80, s4, s14, $0xb8;
	[tilespmem:$0x1E000] =	vst v63  }
0x1d: {  	_ = 	snop  }
0x1e: {  	[tilespmem:s16], [sflag:$0x2] =	stream.indirect.gather [hbm4b:s9+s14], $0x80, s14, s14, $0xb8;
	[tilespmem:$0x1E000] =	vst v63  }
0x1f: {  	_ =	swait.ge [sflag:s17], $0x4000  }
0x20: {  	[sflag:s17] =	ssyncset.done $0x0  }
0x21: {  	[sflag:s17] =	ssyncadd.s32 $0xFFFFC000  }
0x22: {  	[spmem:s3] =	stream.indirect.scatter.add.f32 [tilespmem:s15], [sflag:$0x3], $0x80, s13, s14, $0xb8;
	[tilespmem:$0x1E000] =	vst v63  }
0x23: {  	_ =	swait.ge [sflag:s18], $0x4000  }
0x24: {  	[sflag:s18] =	ssyncset.done $0x0  }
0x25: {  	[sflag:s18] =	ssyncadd.s32 $0xFFFFC000  }
0x26: {  	[spmem:s3] =	stream.indirect.scatter.add.f32 [tilespmem:s16], [sflag:$0x4], $0x80, s19, s14, $0xb8;
	[tilespmem:$0x1E000] =	vst v63  }
0x27: {  	_ =	swait.ge [sflag:s20], $0x4000  }
0x28: {  	[sflag:s20] =	ssyncset.done $0x0  }
0x29: {  	s29 =	simm.s32 $0x100;
	[sflag:s20] =	ssyncadd.s32 $0xFFFFC000  }
0x2a: {  	[tilespmem:s15], [sflag:$0x1] =	stream.indirect.gather [hbm4b:s9+s14], $0x80, s29, s14, $0xb8;
	[tilespmem:$0x1E000] =	vst v63  }
0x2b: {  	_ =	swait.ge [sflag:s21], $0x4000  }
0x2c: {  	[sflag:s21] =	ssyncset.done $0x0  }
0x2d: {  	s30 =	simm.s32 $0x180;
	[sflag:s21] =	ssyncadd.s32 $0xFFFFC000  }
0x2e: {  	[tilespmem:s16], [sflag:$0x2] =	stream.indirect.gather [hbm4b:s9+s14], $0x80, s30, s14, $0xb8;
	[tilespmem:$0x1E000] =	vst v63  }
0x2f: {  	_ =	swait.ge [sflag:s17], $0x4000  }
0x30: {  	[sflag:s17] =	ssyncset.done $0x0  }
0x31: {  	s31 =	simm.s32 $0x1100;
	[sflag:s17] =	ssyncadd.s32 $0xFFFFC000  }
0x32: {  	[spmem:s3] =	stream.indirect.scatter.add.f32 [tilespmem:s15], [sflag:$0x3], $0x80, s31, s14, $0xb8;
	[tilespmem:$0x1E000] =	vst v63  }
0x33: {  	_ =	swait.ge [sflag:s18], $0x4000  }
0x34: {  	[sflag:s18] =	ssyncset.done $0x0  }
0x35: {  	s24 =	simm.s32 $0x1180;
	s23 =	simm.s32 $0xFFFFC800;
	[sflag:s18] =	ssyncadd.s32 $0xFFFFC000  }
.LBB2_2:
0x36: {  	[spmem:s3] =	stream.indirect.scatter.add.f32 [tilespmem:s16], [sflag:$0x4], $0x80, s24, s14, $0xb8;
	[tilespmem:$0x1E000] =	vst v63  }
0x37: {  	s24 =	smov.u32 s23  }
0x38: {  	p0 =	sne.s32 s23, $0xFFFFFC00;
	s23 =	sadd.s32 $0x400, s23;
	_ =	swait.ge [sflag:s20], $0x4000  }
0x39: {  	s24 =	sshra.s32 s24, $0x2;
	[sflag:s20] =	ssyncset.done $0x0  }
0x3a: {  	s25 =	sadd.s32 $0x1000, s24;
	[sflag:s20] =	ssyncadd.s32 $0xFFFFC000  }
0x3b: {  	[tilespmem:s15], [sflag:$0x1] =	stream.indirect.gather [hbm4b:s9+s14], $0x80, s25, s14, $0xb8;
	[tilespmem:$0x1E000] =	vst v63  }
0x3c: {  	_ =	swait.ge [sflag:s21], $0x4000  }
0x3d: {  	[sflag:s21] =	ssyncset.done $0x0  }
0x3e: {  	s25 =	sadd.s32 $0x1080, s24;
	[sflag:s21] =	ssyncadd.s32 $0xFFFFC000  }
0x3f: {  	[tilespmem:s16], [sflag:$0x2] =	stream.indirect.gather [hbm4b:s9+s14], $0x80, s25, s14, $0xb8;
	[tilespmem:$0x1E000] =	vst v63  }
0x40: {  	_ =	swait.ge [sflag:s17], $0x4000  }
0x41: {  	[sflag:s17] =	ssyncset.done $0x0  }
.Ltmp0:
0x42: {  	s25 =	sadd.s32 $0x2000, s24;
	[sflag:s17] =	ssyncadd.s32 $0xFFFFC000;
	(pc) =	sbr.rel @p0 .LBB2_2-.Ltmp0, $4  }
0x43: {  	[spmem:s3] =	stream.indirect.scatter.add.f32 [tilespmem:s15], [sflag:$0x3], $0x80, s25, s14, $0xb8;
	[tilespmem:$0x1E000] =	vst v63  }
0x44: {  	_ =	swait.ge [sflag:s18], $0x4000  }
0x45: {  	[sflag:s18] =	ssyncset.done $0x0  }
0x46: {  	s24 =	sadd.s32 $0x2080, s24;
	[sflag:s18] =	ssyncadd.s32 $0xFFFFC000  }
0x47: {  	[spmem:s3] =	stream.indirect.scatter.add.f32 [tilespmem:s16], [sflag:$0x4], $0x80, s24, s14, $0xb8;
	[tilespmem:$0x1E000] =	vst v63  }
0x48: {  	s22 =	sadd.s32 $0x1, s22  }
0x49: {  	_ =	swait.ge [sflag:s20], $0x4000;
	p0 =	sne.s32 s22, $0x5  }
.Ltmp1:
0x4a: {  	[sflag:s20] =	ssyncset.done $0x0;
	(pc) =	sbr.rel @p0 .LBB2_1-.Ltmp1, $4  }
0x4b: {  	[sflag:s20] =	ssyncadd.s32 $0xFFFFC000  }
0x4c: {  	_ =	swait.ge [sflag:s21], $0x4000  }
0x4d: {  	[sflag:s21] =	ssyncset.done $0x0  }
0x4e: {  	[sflag:s21] =	ssyncadd.s32 $0xFFFFC000  }
0x4f: {  	s2 =	sadd.s32 s10, s5;
	[bflag:$0x0] =	sbarrier.arrive $0xFFFF;
	s31 =	simm.s32 $0x5  }
0x50: {  	[hbm:s2], [sflag:s6] =	dma.local [spmem:s7], $0x2800  }
0x51: {  	_ =	swait.ge [sflag:s31], $0x2800  }
0x52: {  	[sflag:s31] =	ssyncset.done $0x0  }
0x53: {  	[sflag:s31] =	ssyncadd.s32 $0xFFFFD800  }
0x54: {  	_ =	sfence.sel $0x180000  }
0x55: {  	[bflag:$0x0] =	sbarrier.arrive $0xFFFF  }
0x56: {  	p0 =	sne.s32 s1, $0x0;
	_ =	strace $0x90000050  }
0x57: {  	s0 =	sadd.s32 @!p0 $0x100000, s0;
	[bflag:$0x2] =	sbarrier.arrive $0xFFFF  }
0x58: {  	[sflag:s0] =	ssyncadd.tile.s32 @!p0 $0x1;
	_ =	shalt  }
.Lfunc_end2:
_tile_overlayer_lowered:
.L_overlay_start_2:
0x59: {  	(tag) =	ssettag $0x2  }
0x5a: {  	s0 =	rddreg [dreg:$0x0];
	s2 =	stileid.u32  }
0x5b: {  	s1 =	rddreg [dreg:$0x1];
	p0 =	sne.s32 s2, $0x0  }
0x5c: {  	s3 =	rddreg [dreg:$0x2];
	[bflag:$0x3] =	sbarrier.arrive $0xFFFF;
	s2 =	simm.s32 @!p0 $0x1C05  }
0x5d: {  	[timem:s3], [sflag:s2] =	dma.local @!p0 [hbm:s0], s1  }
0x5e: {  	s0 =	simm.s32 @!p0 $0x5  }
0x5f: {  	_ =	swait.ge @!p0 [sflag:s0], s1  }
0x60: {  	s1 =	ssub.s32 @!p0 $0x0, s1;
	[sflag:s0] =	ssyncset.done @!p0 $0x0  }
0x61: {  	[sflag:s0] =	ssyncadd.s32 @!p0 s1  }
0x62: {  	[bflag:$0x3] =	sbarrier.arrive $0xFFFF  }
0x63: {  	_ =	shalt  }

</sc_bundles>
